<compile_context>
chip_gen: v7x
topology: tpu7x:2x2x1
jax: 0.10.2.dev20260603
libtpu: 0.0.44.dev20260713+nightly
codegen_flags: <defaults>
</compile_context>

<pallas_src>
import jax
import jax.numpy as jnp
from jax import lax
from jax.experimental import pallas as pl
from jax.experimental.pallas import tpu as pltpu
from jax.experimental.pallas import tpu_sc as plsc

_EPS = 1e-05
_NC, _NS = 2, 16
_NW = _NC * _NS
_P = 64
_PP = _P + 1
_OUT = 2 * _P
_OP = _OUT + 1
_G = 16
_RB = 64
_NGRP = _RB // _G


def _one_group(gbase, z_blk, w_blk, out_blk,
               c_raw, c_norm, cnt_buf, cnt2_buf, consts):
    iota, ones_i, zeros_i, zeros_f, iota65, iota129 = consts
    wbase = iota65 + gbase * (_G * _PP)
    obase = iota129 + gbase * (_G * _OP)

    c_raw[pl.ds(0, 16)] = zeros_f

    @plsc.parallel_loop(1, 63, unroll=8, carry=zeros_f)
    def acc_tot(j, acc):
        wj = plsc.load_gather(w_blk, [wbase + j])
        acc = acc + (wj + _EPS)
        c_raw[pl.ds(j * 16, 16)] = acc
        return acc

    rtot = jnp.float32(1.0) / acc_tot

    plsc.store_scatter(c_norm, [iota65], zeros_f)

    @plsc.parallel_loop(1, 63, unroll=8)
    def _a2(j):
        c = c_raw[pl.ds(j * 16, 16)] * rtot
        plsc.store_scatter(c_norm, [iota65 + j], c)
        t63 = c * jnp.float32(63.0)
        ki = t63.astype(jnp.int32)
        ki = ki + jnp.where(ki.astype(jnp.float32) < t63, 1, 0)
        ki = jnp.minimum(ki, 64)
        plsc.addupdate_scatter(cnt_buf, [(ki << 4) + iota], ones_i)

    @plsc.parallel_loop(0, 64, unroll=4, carry=zeros_i)
    def _b(k, acc2):
        below = acc2 + cnt_buf[pl.ds(k * 16, 16)]
        cnt_buf[pl.ds(k * 16, 16)] = zeros_i
        above = jnp.minimum(below + 1, 62)
        ib = wbase + below
        zb0 = plsc.load_gather(z_blk, [ib])
        zb1 = plsc.load_gather(z_blk, [ib + 1])
        clamped = below >= 62
        za0 = jnp.where(clamped, zb0, zb1)
        za1 = plsc.load_gather(z_blk, [wbase + above + 1])
        c0 = plsc.load_gather(c_norm, [iota65 + below])
        c1 = plsc.load_gather(c_norm, [iota65 + above])
        y0 = zb0 + zb1
        y1 = za0 + za1
        den = c1 - c0
        den = jnp.where(den < _EPS, jnp.float32(1.0), den)
        u = k.astype(jnp.float32) * jnp.float32(1.0 / 63.0)
        t = (u - c0) / den
        smp = jnp.float32(0.5) * (y0 + t * (y1 - y0))
        rr = below + 1 + jnp.where(zb1 <= smp, 1, 0)
        plsc.addupdate_scatter(cnt2_buf, [(rr << 4) + iota], ones_i)
        plsc.store_scatter(out_blk, [(obase + k) + rr], smp)
        return below

    @plsc.parallel_loop(0, 64, unroll=8, carry=zeros_i)
    def _c(i, acc3):
        acc3 = acc3 + cnt2_buf[pl.ds(i * 16, 16)]
        cnt2_buf[pl.ds(i * 16, 16)] = zeros_i
        zi = plsc.load_gather(z_blk, [wbase + i])
        plsc.store_scatter(out_blk, [(obase + i) + acc3], zi)
        return acc3


def _refiner_body(z_hbm, w_hbm, out_hbm, z_stage, w_stage, z_blk, w_blk,
                  out_blk, out_stage, c_raw, c_norm, cnt_buf, cnt2_buf):
    n_rows = z_hbm.shape[0] // _P
    rows_per_w = n_rows // _NW
    n_blk = rows_per_w // _RB
    wid = lax.axis_index("s") * _NC + lax.axis_index("c")
    row0 = wid * rows_per_w

    iota = lax.iota(jnp.int32, 16)
    consts = (iota,
              jnp.ones((16,), jnp.int32),
              jnp.zeros((16,), jnp.int32),
              jnp.zeros((16,), jnp.float32),
              iota * _PP,
              iota * _OP)
    zeros_i = consts[2]

    @plsc.parallel_loop(0, 65, unroll=8)
    def _zero_once(j):
        cnt_buf[pl.ds(j * 16, 16)] = zeros_i
        cnt2_buf[pl.ds(j * 16, 16)] = zeros_i

    iota16s = [iota + 16 * c for c in range(8)]

    def blk_body(blk, carry_blk):
        base = row0 + blk * _RB
        pltpu.sync_copy(z_hbm.at[pl.ds(base * _P, _RB * _P)], z_stage)
        pltpu.sync_copy(w_hbm.at[pl.ds(base * _P, _RB * _P)], w_stage)

        @plsc.parallel_loop(0, _RB, unroll=4)
        def _repack_in(r):
            rb65 = jnp.full((16,), r * _PP, jnp.int32)
            for c in range(4):
                zc = z_stage[pl.ds(r * _P + c * 16, 16)]
                plsc.store_scatter(z_blk, [rb65 + iota16s[c]], zc)
                wc = w_stage[pl.ds(r * _P + c * 16, 16)]
                plsc.store_scatter(w_blk, [rb65 + iota16s[c]], wc)

        def grp_body(g, carry_g):
            _one_group(g, z_blk, w_blk, out_blk, c_raw, c_norm,
                       cnt_buf, cnt2_buf, consts)
            return carry_g

        lax.fori_loop(0, _NGRP, grp_body, 0)

        @plsc.parallel_loop(0, _RB, unroll=4)
        def _repack_out(r):
            rb129 = jnp.full((16,), r * _OP, jnp.int32)
            for c in range(8):
                oc = plsc.load_gather(out_blk, [rb129 + iota16s[c]])
                out_stage[pl.ds(r * _OUT + c * 16, 16)] = oc

        pltpu.sync_copy(out_stage, out_hbm.at[pl.ds(base * _OUT, _RB * _OUT)])
        return carry_blk

    lax.fori_loop(0, n_blk, blk_body, 0)


def _refine(z2, w2):
    n_rows = z2.shape[0]
    mesh = plsc.VectorSubcoreMesh(core_axis_name="c", subcore_axis_name="s",
                                  num_cores=_NC, num_subcores=_NS)
    return pl.kernel(
        _refiner_body,
        out_type=jax.ShapeDtypeStruct((n_rows * _OUT,), jnp.float32),
        mesh=mesh,
        compiler_params=pltpu.CompilerParams(needs_layout_passes=False),
        scratch_types=[
            pltpu.VMEM((_RB * _P,), jnp.float32),
            pltpu.VMEM((_RB * _P,), jnp.float32),
            pltpu.VMEM((_RB * _PP,), jnp.float32),
            pltpu.VMEM((_RB * _PP,), jnp.float32),
            pltpu.VMEM((_RB * _OP,), jnp.float32),
            pltpu.VMEM((_RB * _OUT,), jnp.float32),
            pltpu.VMEM((_G * _P,), jnp.float32),
            pltpu.VMEM((_G * _PP,), jnp.float32),
            pltpu.VMEM((_G * 66,), jnp.int32),
            pltpu.VMEM((_G * 66,), jnp.int32),
        ],
    )(z2.reshape(-1), w2.reshape(-1))


def kernel(origins, directions, lengths, xys, ray_weights):
    b, r, p = lengths.shape
    n = b * r
    z_out = _refine(lengths.reshape(n, p), ray_weights.reshape(n, p))
    return (origins, directions, z_out.reshape(b, r, 2 * p), xys)

# --- scband reference (transcript-rebuilt; emitter-appended) ---
"""Pipeline reference for scband-ray-point-refiner-83150566850731 (READ-ONLY COPY).

The authoritative reference and input builder live on the scoring server;
editing this copy changes nothing except your own understanding.
"""

import jax, jax.numpy as jnp
import numpy as np

N_PTS_PER_RAY = 64
EPS = 1e-05


def _sample_pdf_det(bins, weights, n_samples, eps=EPS):
    # bins: (R, n_bins+1), weights: (R, n_bins) non-negative
    weights = weights + eps
    pdf = weights / jnp.sum(weights, axis=-1, keepdims=True)
    cdf = jnp.cumsum(pdf, axis=-1)
    cdf = jnp.concatenate([jnp.zeros_like(cdf[..., :1]), cdf], axis=-1)
    # det=True (random_sampling=False): uniformly spaced u
    u = jnp.linspace(0.0, 1.0, n_samples, dtype=cdf.dtype)
    u = jnp.broadcast_to(u, cdf.shape[:-1] + (n_samples,))
    inds = jax.vmap(lambda c, uu: jnp.searchsorted(c, uu, side='right'))(cdf, u)
    below = jnp.clip(inds - 1, 0, None)
    above = jnp.clip(inds, None, cdf.shape[-1] - 1)
    inds_g = jnp.stack([below, above], axis=-1).reshape(below.shape[:-1] + (below.shape[-1] * 2,))
    cdf_g = jnp.take_along_axis(cdf, inds_g, axis=-1).reshape(below.shape + (2,))
    bins_g = jnp.take_along_axis(bins, inds_g, axis=-1).reshape(below.shape + (2,))
    denom = cdf_g[..., 1] - cdf_g[..., 0]
    denom = jnp.where(denom < eps, jnp.ones_like(denom), denom)
    t = (u - cdf_g[..., 0]) / denom
    samples = bins_g[..., 0] + t * (bins_g[..., 1] - bins_g[..., 0])
    return samples


def setup_inputs(seed: int = 0) -> dict:
    key = jax.random.key(seed)
    k1, k2, k3, k4 = jax.random.split(key, 4)
    B, R, P = 2, 65536, 64
    origins = jax.random.normal(k1, (B, R, 3), dtype=jnp.float32)
    directions = jax.random.normal(k2, (B, R, 3), dtype=jnp.float32)
    # sorted-increasing depths along last axis (arange fill)
    lengths = jnp.arange(B * R * P, dtype=jnp.float32).reshape(B, R, P)
    xys = jax.random.uniform(k3, (B, R, 2), dtype=jnp.float32)
    ray_weights = jax.random.uniform(k4, (B, R, P), dtype=jnp.float32)
    return {"origins": origins, "directions": directions, "lengths": lengths, "xys": xys, "ray_weights": ray_weights}


def reference(origins, directions, lengths, xys, ray_weights):
    z_vals = lengths
    # torch.lerp(z[...,1:], z[...,:-1], 0.5) == midpoints
    z_vals_mid = z_vals[..., 1:] + 0.5 * (z_vals[..., :-1] - z_vals[..., 1:])
    bins_flat = z_vals_mid.reshape(-1, z_vals_mid.shape[-1])
    w_flat = ray_weights.reshape(-1, ray_weights.shape[-1])[..., 1:-1]
    z_samples = _sample_pdf_det(bins_flat, w_flat, N_PTS_PER_RAY)
    z_samples = z_samples.reshape(z_vals.shape[:-1] + (N_PTS_PER_RAY,))
    z_samples = jax.lax.stop_gradient(z_samples)  # torch.no_grad block
    # add_input_samples=True
    z_vals = jnp.concatenate([z_vals, z_samples], axis=-1)
    z_vals = jnp.sort(z_vals, axis=-1)
    return (origins, directions, z_vals, xys)

if __name__ == "__main__":
    import jax
    _d = setup_inputs()
    print(jax.jit(kernel)(*tuple(_d.values())))

</pallas_src>

<mosaic_0001>
#map = affine_map<(d0, d1) -> (0)>
module attributes {stable_mosaic.version = 14 : i64} {
  func.func @_refiner_body(%arg0: i32, %arg1: i32, %arg2: memref<8388608xf32, #tpu.memory_space<hbm>>, %arg3: memref<8388608xf32, #tpu.memory_space<hbm>>, %arg4: memref<16777216xf32, #tpu.memory_space<hbm>>, %arg5: memref<4096xf32, #tpu.memory_space<vmem>>, %arg6: memref<4096xf32, #tpu.memory_space<vmem>>, %arg7: memref<4160xf32, #tpu.memory_space<vmem>>, %arg8: memref<4160xf32, #tpu.memory_space<vmem>>, %arg9: memref<8256xf32, #tpu.memory_space<vmem>>, %arg10: memref<8192xf32, #tpu.memory_space<vmem>>, %arg11: memref<1024xf32, #tpu.memory_space<vmem>>, %arg12: memref<1040xf32, #tpu.memory_space<vmem>>, %arg13: memref<1056xi32, #tpu.memory_space<vmem>>, %arg14: memref<1056xi32, #tpu.memory_space<vmem>>) attributes {dimension_semantics = [#tpu.dimension_semantics<core_parallel>, #tpu.dimension_semantics<subcore_parallel>], iteration_bounds = array<i64: 2, 16>, scalar_prefetch = 0 : i64, scratch_operands = 10 : i64, tpu.core_type = #tpu.core_type<sc_vector_subcore>, window_params = [{transform_indices = #map}, {transform_indices = #map}, {transform_indices = #map}]} {
    %mul3A = arith.constant 2 : i32
    %mul3A_0 = arith.muli %arg1, %mul3A : i32
    %add3A = arith.addi %mul3A_0, %arg0 : i32
    %mul3A_1 = arith.constant 4096 : i32
    %mul3A_2 = arith.muli %add3A, %mul3A_1 : i32
    %iota3A = tpu.iota {dimensions = array<i32: 0>} : vector<16xi32>
    %broadcast_in_dim3A = arith.constant 1 : i32
    %broadcast_in_dim3A_3 = vector.broadcast %broadcast_in_dim3A : i32 to vector<16xi32>
    %broadcast_in_dim3A_4 = arith.constant 0 : i32
    %broadcast_in_dim3A_5 = vector.broadcast %broadcast_in_dim3A_4 : i32 to vector<16xi32>
    %broadcast_in_dim3A_6 = arith.constant 0.000000e+00 : f32
    %broadcast_in_dim3A_7 = vector.broadcast %broadcast_in_dim3A_6 : f32 to vector<16xf32>
    %mul3A_8 = arith.constant 65 : i32
    %mul3A_9 = vector.broadcast %mul3A_8 : i32 to vector<16xi32>
    %mul3A_10 = arith.muli %iota3A, %mul3A_9 : vector<16xi32>
    %mul3A_11 = arith.constant 129 : i32
    %mul3A_12 = vector.broadcast %mul3A_11 : i32 to vector<16xi32>
    %mul3A_13 = arith.muli %iota3A, %mul3A_12 : vector<16xi32>
    %parallel_loop3A = arith.constant 0 : i32
    %parallel_loop3A_14 = arith.constant 65 : i32
    %parallel_loop3A_15 = arith.constant 1 : i32
    scf.for %parallel_loop3A_45 = %parallel_loop3A to %parallel_loop3A_14 step %parallel_loop3A_15  : i32 {
      %parallel_loop3A_46 = arith.constant 16 : i32
      %parallel_loop3A_47 = arith.muli %parallel_loop3A_45, %parallel_loop3A_46 : i32
      %parallel_loop3A_48 = arith.index_cast %parallel_loop3A_47 : i32 to index
      %parallel_loop3A_49 = tpu.vector_load %arg13[%parallel_loop3A_48] {strides = array<i32>} : memref<1056xi32, #tpu.memory_space<vmem>>, vector<16xi32>,
      tpu.vector_store %arg13[%parallel_loop3A_48], %broadcast_in_dim3A_5 {strides = array<i32>} : memref<1056xi32, #tpu.memory_space<vmem>>, vector<16xi32>,
      %parallel_loop3A_50 = arith.constant 16 : i32
      %parallel_loop3A_51 = arith.muli %parallel_loop3A_45, %parallel_loop3A_50 : i32
      %parallel_loop3A_52 = arith.index_cast %parallel_loop3A_51 : i32 to index
      %parallel_loop3A_53 = tpu.vector_load %arg14[%parallel_loop3A_52] {strides = array<i32>} : memref<1056xi32, #tpu.memory_space<vmem>>, vector<16xi32>,
      tpu.vector_store %arg14[%parallel_loop3A_52], %broadcast_in_dim3A_5 {strides = array<i32>} : memref<1056xi32, #tpu.memory_space<vmem>>, vector<16xi32>,
    } {sc.loop_unroll_factor = 8 : i64, sc.parallel_access}
    %add3A_16 = arith.constant 0 : i32
    %add3A_17 = vector.broadcast %add3A_16 : i32 to vector<16xi32>
    %add3A_18 = arith.addi %iota3A, %add3A_17 : vector<16xi32>
    %add3A_19 = arith.constant 16 : i32
    %add3A_20 = vector.broadcast %add3A_19 : i32 to vector<16xi32>
    %add3A_21 = arith.addi %iota3A, %add3A_20 : vector<16xi32>
    %add3A_22 = arith.constant 32 : i32
    %add3A_23 = vector.broadcast %add3A_22 : i32 to vector<16xi32>
    %add3A_24 = arith.addi %iota3A, %add3A_23 : vector<16xi32>
    %add3A_25 = arith.constant 48 : i32
    %add3A_26 = vector.broadcast %add3A_25 : i32 to vector<16xi32>
    %add3A_27 = arith.addi %iota3A, %add3A_26 : vector<16xi32>
    %add3A_28 = arith.constant 64 : i32
    %add3A_29 = vector.broadcast %add3A_28 : i32 to vector<16xi32>
    %add3A_30 = arith.addi %iota3A, %add3A_29 : vector<16xi32>
    %add3A_31 = arith.constant 80 : i32
    %add3A_32 = vector.broadcast %add3A_31 : i32 to vector<16xi32>
    %add3A_33 = arith.addi %iota3A, %add3A_32 : vector<16xi32>
    %add3A_34 = arith.constant 96 : i32
    %add3A_35 = vector.broadcast %add3A_34 : i32 to vector<16xi32>
    %add3A_36 = arith.addi %iota3A, %add3A_35 : vector<16xi32>
    %add3A_37 = arith.constant 112 : i32
    %add3A_38 = vector.broadcast %add3A_37 : i32 to vector<16xi32>
    %add3A_39 = arith.addi %iota3A, %add3A_38 : vector<16xi32>
    %scan3A = arith.constant 0 : i32
    %scan3A_40 = arith.constant 0 : i32
    %scan3A_41 = arith.constant 64 : i32
    %scan3A_42 = arith.addi %scan3A_40, %scan3A_41 : i32
    %scan3A_43 = arith.constant 1 : i32
    scf.for %scan3A_45 = %scan3A_40 to %scan3A_42 step %scan3A_43  : i32 {
      %mul3A_46 = arith.constant 64 : i32
      %mul3A_47 = arith.muli %scan3A_45, %mul3A_46 : i32
      %add3A_48 = arith.addi %mul3A_2, %mul3A_47 : i32
      %mul3A_49 = arith.constant 64 : i32
      %mul3A_50 = arith.muli %add3A_48, %mul3A_49 : i32
      "tpu.region"() ({
        %run_scoped3A = tpu.sem_alloc : memref<!tpu.dma_semaphore, #tpu.memory_space<semaphore_mem>>
        %dma_start3A = tpu.memref_slice %arg2[%mul3A_50] : memref<8388608xf32, #tpu.memory_space<hbm>> -> memref<4096xf32, #tpu.memory_space<hbm>>
        %dma_start3A_67 = tpu.memref_slice %arg2[%mul3A_50] : memref<8388608xf32, #tpu.memory_space<hbm>> -> memref<4096xf32, #tpu.memory_space<hbm>>
        tpu.enqueue_dma source(%dma_start3A_67 : memref<4096xf32, #tpu.memory_space<hbm>>) target(%arg5 : memref<4096xf32, #tpu.memory_space<vmem>>) target_semaphore(%run_scoped3A : memref<!tpu.dma_semaphore, #tpu.memory_space<semaphore_mem>>)
        %dma_wait3A = tpu.memref_slice %arg2[%mul3A_50] : memref<8388608xf32, #tpu.memory_space<hbm>> -> memref<4096xf32, #tpu.memory_space<hbm>>
        %dma_wait3A_68 = tpu.memref_slice %arg2[%mul3A_50] : memref<8388608xf32, #tpu.memory_space<hbm>> -> memref<4096xf32, #tpu.memory_space<hbm>>
        tpu.wait_dma2 semaphore(%run_scoped3A : memref<!tpu.dma_semaphore, #tpu.memory_space<semaphore_mem>>) src(%dma_wait3A_68 : memref<4096xf32, #tpu.memory_space<hbm>>) dst(%arg5 : memref<4096xf32, #tpu.memory_space<vmem>>)
        tpu.yield
      }) : () -> ()
      %mul3A_51 = arith.constant 64 : i32
      %mul3A_52 = arith.muli %add3A_48, %mul3A_51 : i32
      "tpu.region"() ({
        %run_scoped3A = tpu.sem_alloc : memref<!tpu.dma_semaphore, #tpu.memory_space<semaphore_mem>>
        %dma_start3A = tpu.memref_slice %arg3[%mul3A_52] : memref<8388608xf32, #tpu.memory_space<hbm>> -> memref<4096xf32, #tpu.memory_space<hbm>>
        %dma_start3A_67 = tpu.memref_slice %arg3[%mul3A_52] : memref<8388608xf32, #tpu.memory_space<hbm>> -> memref<4096xf32, #tpu.memory_space<hbm>>
        tpu.enqueue_dma source(%dma_start3A_67 : memref<4096xf32, #tpu.memory_space<hbm>>) target(%arg6 : memref<4096xf32, #tpu.memory_space<vmem>>) target_semaphore(%run_scoped3A : memref<!tpu.dma_semaphore, #tpu.memory_space<semaphore_mem>>)
        %dma_wait3A = tpu.memref_slice %arg3[%mul3A_52] : memref<8388608xf32, #tpu.memory_space<hbm>> -> memref<4096xf32, #tpu.memory_space<hbm>>
        %dma_wait3A_68 = tpu.memref_slice %arg3[%mul3A_52] : memref<8388608xf32, #tpu.memory_space<hbm>> -> memref<4096xf32, #tpu.memory_space<hbm>>
        tpu.wait_dma2 semaphore(%run_scoped3A : memref<!tpu.dma_semaphore, #tpu.memory_space<semaphore_mem>>) src(%dma_wait3A_68 : memref<4096xf32, #tpu.memory_space<hbm>>) dst(%arg6 : memref<4096xf32, #tpu.memory_space<vmem>>)
        tpu.yield
      }) : () -> ()
      %parallel_loop3A_53 = arith.constant 0 : i32
      %parallel_loop3A_54 = arith.constant 64 : i32
      %parallel_loop3A_55 = arith.constant 1 : i32
      scf.for %parallel_loop3A_67 = %parallel_loop3A_53 to %parallel_loop3A_54 step %parallel_loop3A_55  : i32 {
        %parallel_loop3A_68 = arith.constant 65 : i32
        %parallel_loop3A_69 = arith.muli %parallel_loop3A_67, %parallel_loop3A_68 : i32
        %parallel_loop3A_70 = vector.broadcast %parallel_loop3A_69 : i32 to vector<16xi32>
        %parallel_loop3A_71 = arith.constant 64 : i32
        %parallel_loop3A_72 = arith.muli %parallel_loop3A_67, %parallel_loop3A_71 : i32
        %parallel_loop3A_73 = arith.constant 0 : i32
        %parallel_loop3A_74 = arith.addi %parallel_loop3A_72, %parallel_loop3A_73 : i32
        %parallel_loop3A_75 = arith.index_cast %parallel_loop3A_74 : i32 to index
        %parallel_loop3A_76 = tpu.vector_load %arg5[%parallel_loop3A_75] {strides = array<i32>} : memref<4096xf32, #tpu.memory_space<vmem>>, vector<16xf32>,
        %parallel_loop3A_77 = arith.addi %parallel_loop3A_70, %add3A_18 : vector<16xi32>
        tpu.vector_store_idx %arg7[%parallel_loop3A_77], %parallel_loop3A_76 : memref<4160xf32, #tpu.memory_space<vmem>>[vector<16xi32>], vector<16xf32>,
        %parallel_loop3A_78 = arith.constant 64 : i32
        %parallel_loop3A_79 = arith.muli %parallel_loop3A_67, %parallel_loop3A_78 : i32
        %parallel_loop3A_80 = arith.constant 0 : i32
        %parallel_loop3A_81 = arith.addi %parallel_loop3A_79, %parallel_loop3A_80 : i32
        %parallel_loop3A_82 = arith.index_cast %parallel_loop3A_81 : i32 to index
        %parallel_loop3A_83 = tpu.vector_load %arg6[%parallel_loop3A_82] {strides = array<i32>} : memref<4096xf32, #tpu.memory_space<vmem>>, vector<16xf32>,
        %parallel_loop3A_84 = arith.addi %parallel_loop3A_70, %add3A_18 : vector<16xi32>
        tpu.vector_store_idx %arg8[%parallel_loop3A_84], %parallel_loop3A_83 : memref<4160xf32, #tpu.memory_space<vmem>>[vector<16xi32>], vector<16xf32>,
        %parallel_loop3A_85 = arith.constant 64 : i32
        %parallel_loop3A_86 = arith.muli %parallel_loop3A_67, %parallel_loop3A_85 : i32
        %parallel_loop3A_87 = arith.constant 16 : i32
        %parallel_loop3A_88 = arith.addi %parallel_loop3A_86, %parallel_loop3A_87 : i32
        %parallel_loop3A_89 = arith.index_cast %parallel_loop3A_88 : i32 to index
        %parallel_loop3A_90 = tpu.vector_load %arg5[%parallel_loop3A_89] {strides = array<i32>} : memref<4096xf32, #tpu.memory_space<vmem>>, vector<16xf32>,
        %parallel_loop3A_91 = arith.addi %parallel_loop3A_70, %add3A_21 : vector<16xi32>
        tpu.vector_store_idx %arg7[%parallel_loop3A_91], %parallel_loop3A_90 : memref<4160xf32, #tpu.memory_space<vmem>>[vector<16xi32>], vector<16xf32>,
        %parallel_loop3A_92 = arith.constant 64 : i32
        %parallel_loop3A_93 = arith.muli %parallel_loop3A_67, %parallel_loop3A_92 : i32
        %parallel_loop3A_94 = arith.constant 16 : i32
        %parallel_loop3A_95 = arith.addi %parallel_loop3A_93, %parallel_loop3A_94 : i32
        %parallel_loop3A_96 = arith.index_cast %parallel_loop3A_95 : i32 to index
        %parallel_loop3A_97 = tpu.vector_load %arg6[%parallel_loop3A_96] {strides = array<i32>} : memref<4096xf32, #tpu.memory_space<vmem>>, vector<16xf32>,
        %parallel_loop3A_98 = arith.addi %parallel_loop3A_70, %add3A_21 : vector<16xi32>
        tpu.vector_store_idx %arg8[%parallel_loop3A_98], %parallel_loop3A_97 : memref<4160xf32, #tpu.memory_space<vmem>>[vector<16xi32>], vector<16xf32>,
        %parallel_loop3A_99 = arith.constant 64 : i32
        %parallel_loop3A_100 = arith.muli %parallel_loop3A_67, %parallel_loop3A_99 : i32
        %parallel_loop3A_101 = arith.constant 32 : i32
        %parallel_loop3A_102 = arith.addi %parallel_loop3A_100, %parallel_loop3A_101 : i32
        %parallel_loop3A_103 = arith.index_cast %parallel_loop3A_102 : i32 to index
        %parallel_loop3A_104 = tpu.vector_load %arg5[%parallel_loop3A_103] {strides = array<i32>} : memref<4096xf32, #tpu.memory_space<vmem>>, vector<16xf32>,
        %parallel_loop3A_105 = arith.addi %parallel_loop3A_70, %add3A_24 : vector<16xi32>
        tpu.vector_store_idx %arg7[%parallel_loop3A_105], %parallel_loop3A_104 : memref<4160xf32, #tpu.memory_space<vmem>>[vector<16xi32>], vector<16xf32>,
        %parallel_loop3A_106 = arith.constant 64 : i32
        %parallel_loop3A_107 = arith.muli %parallel_loop3A_67, %parallel_loop3A_106 : i32
        %parallel_loop3A_108 = arith.constant 32 : i32
        %parallel_loop3A_109 = arith.addi %parallel_loop3A_107, %parallel_loop3A_108 : i32
        %parallel_loop3A_110 = arith.index_cast %parallel_loop3A_109 : i32 to index
        %parallel_loop3A_111 = tpu.vector_load %arg6[%parallel_loop3A_110] {strides = array<i32>} : memref<4096xf32, #tpu.memory_space<vmem>>, vector<16xf32>,
        %parallel_loop3A_112 = arith.addi %parallel_loop3A_70, %add3A_24 : vector<16xi32>
        tpu.vector_store_idx %arg8[%parallel_loop3A_112], %parallel_loop3A_111 : memref<4160xf32, #tpu.memory_space<vmem>>[vector<16xi32>], vector<16xf32>,
        %parallel_loop3A_113 = arith.constant 64 : i32
        %parallel_loop3A_114 = arith.muli %parallel_loop3A_67, %parallel_loop3A_113 : i32
        %parallel_loop3A_115 = arith.constant 48 : i32
        %parallel_loop3A_116 = arith.addi %parallel_loop3A_114, %parallel_loop3A_115 : i32
        %parallel_loop3A_117 = arith.index_cast %parallel_loop3A_116 : i32 to index
        %parallel_loop3A_118 = tpu.vector_load %arg5[%parallel_loop3A_117] {strides = array<i32>} : memref<4096xf32, #tpu.memory_space<vmem>>, vector<16xf32>,
        %parallel_loop3A_119 = arith.addi %parallel_loop3A_70, %add3A_27 : vector<16xi32>
        tpu.vector_store_idx %arg7[%parallel_loop3A_119], %parallel_loop3A_118 : memref<4160xf32, #tpu.memory_space<vmem>>[vector<16xi32>], vector<16xf32>,
        %parallel_loop3A_120 = arith.constant 64 : i32
        %parallel_loop3A_121 = arith.muli %parallel_loop3A_67, %parallel_loop3A_120 : i32
        %parallel_loop3A_122 = arith.constant 48 : i32
        %parallel_loop3A_123 = arith.addi %parallel_loop3A_121, %parallel_loop3A_122 : i32
        %parallel_loop3A_124 = arith.index_cast %parallel_loop3A_123 : i32 to index
        %parallel_loop3A_125 = tpu.vector_load %arg6[%parallel_loop3A_124] {strides = array<i32>} : memref<4096xf32, #tpu.memory_space<vmem>>, vector<16xf32>,
        %parallel_loop3A_126 = arith.addi %parallel_loop3A_70, %add3A_27 : vector<16xi32>
        tpu.vector_store_idx %arg8[%parallel_loop3A_126], %parallel_loop3A_125 : memref<4160xf32, #tpu.memory_space<vmem>>[vector<16xi32>], vector<16xf32>,
      } {sc.loop_unroll_factor = 4 : i64, sc.parallel_access}
      %scan3A_56 = arith.constant 0 : i32
      %scan3A_57 = arith.constant 0 : i32
      %scan3A_58 = arith.constant 4 : i32
      %scan3A_59 = arith.addi %scan3A_57, %scan3A_58 : i32
      %scan3A_60 = arith.constant 1 : i32
      scf.for %scan3A_67 = %scan3A_57 to %scan3A_59 step %scan3A_60  : i32 {
        %mul3A_68 = arith.constant 1040 : i32
        %mul3A_69 = arith.muli %scan3A_67, %mul3A_68 : i32
        %add3A_70 = vector.broadcast %mul3A_69 : i32 to vector<16xi32>
        %add3A_71 = arith.addi %mul3A_10, %add3A_70 : vector<16xi32>
        %mul3A_72 = arith.constant 2064 : i32
        %mul3A_73 = arith.muli %scan3A_67, %mul3A_72 : i32
        %add3A_74 = vector.broadcast %mul3A_73 : i32 to vector<16xi32>
        %add3A_75 = arith.addi %mul3A_13, %add3A_74 : vector<16xi32>
        %swap3A = arith.constant 0 : index
        %swap3A_76 = tpu.vector_load %arg11[%swap3A] {strides = array<i32>} : memref<1024xf32, #tpu.memory_space<vmem>>, vector<16xf32>,
        tpu.vector_store %arg11[%swap3A], %broadcast_in_dim3A_7 {strides = array<i32>} : memref<1024xf32, #tpu.memory_space<vmem>>, vector<16xf32>,
        %parallel_loop3A_77 = arith.constant 1 : i32
        %parallel_loop3A_78 = arith.constant 63 : i32
        %parallel_loop3A_79 = arith.constant 1 : i32
        %parallel_loop3A_80 = scf.for %parallel_loop3A_94 = %parallel_loop3A_77 to %parallel_loop3A_78 step %parallel_loop3A_79 iter_args(%parallel_loop3A_95 = %broadcast_in_dim3A_7) -> (vector<16xf32>)  : i32 {
          %parallel_loop3A_96 = vector.broadcast %parallel_loop3A_94 : i32 to vector<16xi32>
          %parallel_loop3A_97 = arith.addi %add3A_71, %parallel_loop3A_96 : vector<16xi32>
          %parallel_loop3A_98 = tpu.vector_load_idx %arg8[%parallel_loop3A_97] : memref<4160xf32, #tpu.memory_space<vmem>>[vector<16xi32>], vector<16xf32>,
          %parallel_loop3A_99 = arith.constant 9.99999974E-6 : f32
          %parallel_loop3A_100 = vector.broadcast %parallel_loop3A_99 : f32 to vector<16xf32>
          %parallel_loop3A_101 = arith.addf %parallel_loop3A_98, %parallel_loop3A_100 : vector<16xf32>
          %parallel_loop3A_102 = arith.addf %parallel_loop3A_95, %parallel_loop3A_101 : vector<16xf32>
          %parallel_loop3A_103 = arith.constant 16 : i32
          %parallel_loop3A_104 = arith.muli %parallel_loop3A_94, %parallel_loop3A_103 : i32
          %parallel_loop3A_105 = arith.index_cast %parallel_loop3A_104 : i32 to index
          %parallel_loop3A_106 = tpu.vector_load %arg11[%parallel_loop3A_105] {strides = array<i32>} : memref<1024xf32, #tpu.memory_space<vmem>>, vector<16xf32>,
          tpu.vector_store %arg11[%parallel_loop3A_105], %parallel_loop3A_102 {strides = array<i32>} : memref<1024xf32, #tpu.memory_space<vmem>>, vector<16xf32>,
          scf.yield %parallel_loop3A_102 : vector<16xf32>
        } {sc.loop_unroll_factor = 8 : i64, sc.parallel_access}
        %div3A = arith.constant 1.000000e+00 : f32
        %div3A_81 = vector.broadcast %div3A : f32 to vector<16xf32>
        %div3A_82 = arith.divf %div3A_81, %parallel_loop3A_80 : vector<16xf32>
        tpu.vector_store_idx %arg12[%mul3A_10], %broadcast_in_dim3A_7 : memref<1040xf32, #tpu.memory_space<vmem>>[vector<16xi32>], vector<16xf32>,
        %parallel_loop3A_83 = arith.constant 1 : i32
        %parallel_loop3A_84 = arith.constant 63 : i32
        %parallel_loop3A_85 = arith.constant 1 : i32
        scf.for %parallel_loop3A_94 = %parallel_loop3A_83 to %parallel_loop3A_84 step %parallel_loop3A_85  : i32 {
          %parallel_loop3A_95 = arith.constant 16 : i32
          %parallel_loop3A_96 = arith.muli %parallel_loop3A_94, %parallel_loop3A_95 : i32
          %parallel_loop3A_97 = arith.index_cast %parallel_loop3A_96 : i32 to index
          %parallel_loop3A_98 = tpu.vector_load %arg11[%parallel_loop3A_97] {strides = array<i32>} : memref<1024xf32, #tpu.memory_space<vmem>>, vector<16xf32>,
          %parallel_loop3A_99 = arith.mulf %parallel_loop3A_98, %div3A_82 : vector<16xf32>
          %parallel_loop3A_100 = vector.broadcast %parallel_loop3A_94 : i32 to vector<16xi32>
          %parallel_loop3A_101 = arith.addi %mul3A_10, %parallel_loop3A_100 : vector<16xi32>
          tpu.vector_store_idx %arg12[%parallel_loop3A_101], %parallel_loop3A_99 : memref<1040xf32, #tpu.memory_space<vmem>>[vector<16xi32>], vector<16xf32>,
          %parallel_loop3A_102 = arith.constant 6.300000e+01 : f32
          %parallel_loop3A_103 = vector.broadcast %parallel_loop3A_102 : f32 to vector<16xf32>
          %parallel_loop3A_104 = arith.mulf %parallel_loop3A_99, %parallel_loop3A_103 : vector<16xf32>
          %parallel_loop3A_105 = arith.fptosi %parallel_loop3A_104 : vector<16xf32> to vector<16xi32>
          %parallel_loop3A_106 = arith.sitofp %parallel_loop3A_105 : vector<16xi32> to vector<16xf32>
          %parallel_loop3A_107 = arith.cmpf olt, %parallel_loop3A_106, %parallel_loop3A_104 : vector<16xf32>
          %parallel_loop3A_108 = arith.constant 1 : i32
          %parallel_loop3A_109 = arith.constant 0 : i32
          %parallel_loop3A_110 = vector.broadcast %parallel_loop3A_108 : i32 to vector<16xi32>
          %parallel_loop3A_111 = vector.broadcast %parallel_loop3A_109 : i32 to vector<16xi32>
          %parallel_loop3A_112 = arith.select %parallel_loop3A_107, %parallel_loop3A_110, %parallel_loop3A_111 : vector<16xi1>, vector<16xi32>
          %parallel_loop3A_113 = arith.addi %parallel_loop3A_105, %parallel_loop3A_112 : vector<16xi32>
          %parallel_loop3A_114 = arith.constant 64 : i32
          %parallel_loop3A_115 = vector.broadcast %parallel_loop3A_114 : i32 to vector<16xi32>
          %parallel_loop3A_116 = arith.minsi %parallel_loop3A_113, %parallel_loop3A_115 : vector<16xi32>
          %parallel_loop3A_117 = arith.constant 4 : i32
          %parallel_loop3A_118 = vector.broadcast %parallel_loop3A_117 : i32 to vector<16xi32>
          %parallel_loop3A_119 = arith.shli %parallel_loop3A_116, %parallel_loop3A_118 : vector<16xi32>
          %parallel_loop3A_120 = arith.addi %parallel_loop3A_119, %iota3A : vector<16xi32>
          tpu.vector_store_idx %arg13[%parallel_loop3A_120], %broadcast_in_dim3A_3 {add = true} : memref<1056xi32, #tpu.memory_space<vmem>>[vector<16xi32>], vector<16xi32>,
        } {sc.loop_unroll_factor = 8 : i64, sc.parallel_access}
        %parallel_loop3A_86 = arith.constant 0 : i32
        %parallel_loop3A_87 = arith.constant 64 : i32
        %parallel_loop3A_88 = arith.constant 1 : i32
        %parallel_loop3A_89 = scf.for %parallel_loop3A_94 = %parallel_loop3A_86 to %parallel_loop3A_87 step %parallel_loop3A_88 iter_args(%parallel_loop3A_95 = %broadcast_in_dim3A_5) -> (vector<16xi32>)  : i32 {
          %parallel_loop3A_96 = arith.constant 16 : i32
          %parallel_loop3A_97 = arith.muli %parallel_loop3A_94, %parallel_loop3A_96 : i32
          %parallel_loop3A_98 = arith.index_cast %parallel_loop3A_97 : i32 to index
          %parallel_loop3A_99 = tpu.vector_load %arg13[%parallel_loop3A_98] {strides = array<i32>} : memref<1056xi32, #tpu.memory_space<vmem>>, vector<16xi32>,
          %parallel_loop3A_100 = arith.addi %parallel_loop3A_95, %parallel_loop3A_99 : vector<16xi32>
          %parallel_loop3A_101 = arith.constant 16 : i32
          %parallel_loop3A_102 = arith.muli %parallel_loop3A_94, %parallel_loop3A_101 : i32
          %parallel_loop3A_103 = arith.index_cast %parallel_loop3A_102 : i32 to index
          %parallel_loop3A_104 = tpu.vector_load %arg13[%parallel_loop3A_103] {strides = array<i32>} : memref<1056xi32, #tpu.memory_space<vmem>>, vector<16xi32>,
          tpu.vector_store %arg13[%parallel_loop3A_103], %broadcast_in_dim3A_5 {strides = array<i32>} : memref<1056xi32, #tpu.memory_space<vmem>>, vector<16xi32>,
          %parallel_loop3A_105 = arith.constant 1 : i32
          %parallel_loop3A_106 = vector.broadcast %parallel_loop3A_105 : i32 to vector<16xi32>
          %parallel_loop3A_107 = arith.addi %parallel_loop3A_100, %parallel_loop3A_106 : vector<16xi32>
          %parallel_loop3A_108 = arith.constant 62 : i32
          %parallel_loop3A_109 = vector.broadcast %parallel_loop3A_108 : i32 to vector<16xi32>
          %parallel_loop3A_110 = arith.minsi %parallel_loop3A_107, %parallel_loop3A_109 : vector<16xi32>
          %parallel_loop3A_111 = arith.addi %add3A_71, %parallel_loop3A_100 : vector<16xi32>
          %parallel_loop3A_112 = tpu.vector_load_idx %arg7[%parallel_loop3A_111] : memref<4160xf32, #tpu.memory_space<vmem>>[vector<16xi32>], vector<16xf32>,
          %parallel_loop3A_113 = arith.constant 1 : i32
          %parallel_loop3A_114 = vector.broadcast %parallel_loop3A_113 : i32 to vector<16xi32>
          %parallel_loop3A_115 = arith.addi %parallel_loop3A_111, %parallel_loop3A_114 : vector<16xi32>
          %parallel_loop3A_116 = tpu.vector_load_idx %arg7[%parallel_loop3A_115] : memref<4160xf32, #tpu.memory_space<vmem>>[vector<16xi32>], vector<16xf32>,
          %parallel_loop3A_117 = arith.constant 62 : i32
          %parallel_loop3A_118 = vector.broadcast %parallel_loop3A_117 : i32 to vector<16xi32>
          %parallel_loop3A_119 = arith.cmpi sge, %parallel_loop3A_100, %parallel_loop3A_118 : vector<16xi32>
          %parallel_loop3A_120 = arith.select %parallel_loop3A_119, %parallel_loop3A_112, %parallel_loop3A_116 : vector<16xi1>, vector<16xf32>
          %parallel_loop3A_121 = arith.addi %add3A_71, %parallel_loop3A_110 : vector<16xi32>
          %parallel_loop3A_122 = arith.constant 1 : i32
          %parallel_loop3A_123 = vector.broadcast %parallel_loop3A_122 : i32 to vector<16xi32>
          %parallel_loop3A_124 = arith.addi %parallel_loop3A_121, %parallel_loop3A_123 : vector<16xi32>
          %parallel_loop3A_125 = tpu.vector_load_idx %arg7[%parallel_loop3A_124] : memref<4160xf32, #tpu.memory_space<vmem>>[vector<16xi32>], vector<16xf32>,
          %parallel_loop3A_126 = arith.addi %mul3A_10, %parallel_loop3A_100 : vector<16xi32>
          %parallel_loop3A_127 = tpu.vector_load_idx %arg12[%parallel_loop3A_126] : memref<1040xf32, #tpu.memory_space<vmem>>[vector<16xi32>], vector<16xf32>,
          %parallel_loop3A_128 = arith.addi %mul3A_10, %parallel_loop3A_110 : vector<16xi32>
          %parallel_loop3A_129 = tpu.vector_load_idx %arg12[%parallel_loop3A_128] : memref<1040xf32, #tpu.memory_space<vmem>>[vector<16xi32>], vector<16xf32>,
          %parallel_loop3A_130 = arith.addf %parallel_loop3A_112, %parallel_loop3A_116 : vector<16xf32>
          %parallel_loop3A_131 = arith.addf %parallel_loop3A_120, %parallel_loop3A_125 : vector<16xf32>
          %parallel_loop3A_132 = arith.subf %parallel_loop3A_129, %parallel_loop3A_127 : vector<16xf32>
          %parallel_loop3A_133 = arith.constant 9.99999974E-6 : f32
          %parallel_loop3A_134 = vector.broadcast %parallel_loop3A_133 : f32 to vector<16xf32>
          %parallel_loop3A_135 = arith.cmpf olt, %parallel_loop3A_132, %parallel_loop3A_134 : vector<16xf32>
          %parallel_loop3A_136 = arith.constant 1.000000e+00 : f32
          %parallel_loop3A_137 = vector.broadcast %parallel_loop3A_136 : f32 to vector<16xf32>
          %parallel_loop3A_138 = arith.select %parallel_loop3A_135, %parallel_loop3A_137, %parallel_loop3A_132 : vector<16xi1>, vector<16xf32>
          %parallel_loop3A_139 = arith.sitofp %parallel_loop3A_94 : i32 to f32
          %parallel_loop3A_140 = arith.constant 0.0158730168 : f32
          %parallel_loop3A_141 = arith.mulf %parallel_loop3A_139, %parallel_loop3A_140 : f32
          %parallel_loop3A_142 = vector.broadcast %parallel_loop3A_141 : f32 to vector<16xf32>
          %parallel_loop3A_143 = arith.subf %parallel_loop3A_142, %parallel_loop3A_127 : vector<16xf32>
          %parallel_loop3A_144 = arith.divf %parallel_loop3A_143, %parallel_loop3A_138 : vector<16xf32>
          %parallel_loop3A_145 = arith.subf %parallel_loop3A_131, %parallel_loop3A_130 : vector<16xf32>
          %parallel_loop3A_146 = arith.mulf %parallel_loop3A_144, %parallel_loop3A_145 : vector<16xf32>
          %parallel_loop3A_147 = arith.addf %parallel_loop3A_130, %parallel_loop3A_146 : vector<16xf32>
          %parallel_loop3A_148 = arith.constant 5.000000e-01 : f32
          %parallel_loop3A_149 = vector.broadcast %parallel_loop3A_148 : f32 to vector<16xf32>
          %parallel_loop3A_150 = arith.mulf %parallel_loop3A_149, %parallel_loop3A_147 : vector<16xf32>
          %parallel_loop3A_151 = arith.constant 1 : i32
          %parallel_loop3A_152 = vector.broadcast %parallel_loop3A_151 : i32 to vector<16xi32>
          %parallel_loop3A_153 = arith.addi %parallel_loop3A_100, %parallel_loop3A_152 : vector<16xi32>
          %parallel_loop3A_154 = arith.cmpf ole, %parallel_loop3A_116, %parallel_loop3A_150 : vector<16xf32>
          %parallel_loop3A_155 = arith.constant 1 : i32
          %parallel_loop3A_156 = arith.constant 0 : i32
          %parallel_loop3A_157 = vector.broadcast %parallel_loop3A_155 : i32 to vector<16xi32>
          %parallel_loop3A_158 = vector.broadcast %parallel_loop3A_156 : i32 to vector<16xi32>
          %parallel_loop3A_159 = arith.select %parallel_loop3A_154, %parallel_loop3A_157, %parallel_loop3A_158 : vector<16xi1>, vector<16xi32>
          %parallel_loop3A_160 = arith.addi %parallel_loop3A_153, %parallel_loop3A_159 : vector<16xi32>
          %parallel_loop3A_161 = arith.constant 4 : i32
          %parallel_loop3A_162 = vector.broadcast %parallel_loop3A_161 : i32 to vector<16xi32>
          %parallel_loop3A_163 = arith.shli %parallel_loop3A_160, %parallel_loop3A_162 : vector<16xi32>
          %parallel_loop3A_164 = arith.addi %parallel_loop3A_163, %iota3A : vector<16xi32>
          tpu.vector_store_idx %arg14[%parallel_loop3A_164], %broadcast_in_dim3A_3 {add = true} : memref<1056xi32, #tpu.memory_space<vmem>>[vector<16xi32>], vector<16xi32>,
          %parallel_loop3A_165 = vector.broadcast %parallel_loop3A_94 : i32 to vector<16xi32>
          %parallel_loop3A_166 = arith.addi %add3A_75, %parallel_loop3A_165 : vector<16xi32>
          %parallel_loop3A_167 = arith.addi %parallel_loop3A_166, %parallel_loop3A_160 : vector<16xi32>
          tpu.vector_store_idx %arg9[%parallel_loop3A_167], %parallel_loop3A_150 : memref<8256xf32, #tpu.memory_space<vmem>>[vector<16xi32>], vector<16xf32>,
          scf.yield %parallel_loop3A_100 : vector<16xi32>
        } {sc.loop_unroll_factor = 4 : i64, sc.parallel_access}
        %parallel_loop3A_90 = arith.constant 0 : i32
        %parallel_loop3A_91 = arith.constant 64 : i32
        %parallel_loop3A_92 = arith.constant 1 : i32
        %parallel_loop3A_93 = scf.for %parallel_loop3A_94 = %parallel_loop3A_90 to %parallel_loop3A_91 step %parallel_loop3A_92 iter_args(%parallel_loop3A_95 = %broadcast_in_dim3A_5) -> (vector<16xi32>)  : i32 {
          %parallel_loop3A_96 = arith.constant 16 : i32
          %parallel_loop3A_97 = arith.muli %parallel_loop3A_94, %parallel_loop3A_96 : i32
          %parallel_loop3A_98 = arith.index_cast %parallel_loop3A_97 : i32 to index
          %parallel_loop3A_99 = tpu.vector_load %arg14[%parallel_loop3A_98] {strides = array<i32>} : memref<1056xi32, #tpu.memory_space<vmem>>, vector<16xi32>,
          %parallel_loop3A_100 = arith.addi %parallel_loop3A_95, %parallel_loop3A_99 : vector<16xi32>
          %parallel_loop3A_101 = arith.constant 16 : i32
          %parallel_loop3A_102 = arith.muli %parallel_loop3A_94, %parallel_loop3A_101 : i32
          %parallel_loop3A_103 = arith.index_cast %parallel_loop3A_102 : i32 to index
          %parallel_loop3A_104 = tpu.vector_load %arg14[%parallel_loop3A_103] {strides = array<i32>} : memref<1056xi32, #tpu.memory_space<vmem>>, vector<16xi32>,
          tpu.vector_store %arg14[%parallel_loop3A_103], %broadcast_in_dim3A_5 {strides = array<i32>} : memref<1056xi32, #tpu.memory_space<vmem>>, vector<16xi32>,
          %parallel_loop3A_105 = vector.broadcast %parallel_loop3A_94 : i32 to vector<16xi32>
          %parallel_loop3A_106 = arith.addi %add3A_71, %parallel_loop3A_105 : vector<16xi32>
          %parallel_loop3A_107 = tpu.vector_load_idx %arg7[%parallel_loop3A_106] : memref<4160xf32, #tpu.memory_space<vmem>>[vector<16xi32>], vector<16xf32>,
          %parallel_loop3A_108 = vector.broadcast %parallel_loop3A_94 : i32 to vector<16xi32>
          %parallel_loop3A_109 = arith.addi %add3A_75, %parallel_loop3A_108 : vector<16xi32>
          %parallel_loop3A_110 = arith.addi %parallel_loop3A_109, %parallel_loop3A_100 : vector<16xi32>
          tpu.vector_store_idx %arg9[%parallel_loop3A_110], %parallel_loop3A_107 : memref<8256xf32, #tpu.memory_space<vmem>>[vector<16xi32>], vector<16xf32>,
          scf.yield %parallel_loop3A_100 : vector<16xi32>
        } {sc.loop_unroll_factor = 8 : i64, sc.parallel_access}
      }
      %scan3A_61 = arith.constant 4 : i32
      %parallel_loop3A_62 = arith.constant 0 : i32
      %parallel_loop3A_63 = arith.constant 64 : i32
      %parallel_loop3A_64 = arith.constant 1 : i32
      scf.for %parallel_loop3A_67 = %parallel_loop3A_62 to %parallel_loop3A_63 step %parallel_loop3A_64  : i32 {
        %parallel_loop3A_68 = arith.constant 129 : i32
        %parallel_loop3A_69 = arith.muli %parallel_loop3A_67, %parallel_loop3A_68 : i32
        %parallel_loop3A_70 = vector.broadcast %parallel_loop3A_69 : i32 to vector<16xi32>
        %parallel_loop3A_71 = arith.addi %parallel_loop3A_70, %add3A_18 : vector<16xi32>
        %parallel_loop3A_72 = tpu.vector_load_idx %arg9[%parallel_loop3A_71] : memref<8256xf32, #tpu.memory_space<vmem>>[vector<16xi32>], vector<16xf32>,
        %parallel_loop3A_73 = arith.constant 128 : i32
        %parallel_loop3A_74 = arith.muli %parallel_loop3A_67, %parallel_loop3A_73 : i32
        %parallel_loop3A_75 = arith.constant 0 : i32
        %parallel_loop3A_76 = arith.addi %parallel_loop3A_74, %parallel_loop3A_75 : i32
        %parallel_loop3A_77 = arith.index_cast %parallel_loop3A_76 : i32 to index
        %parallel_loop3A_78 = tpu.vector_load %arg10[%parallel_loop3A_77] {strides = array<i32>} : memref<8192xf32, #tpu.memory_space<vmem>>, vector<16xf32>,
        tpu.vector_store %arg10[%parallel_loop3A_77], %parallel_loop3A_72 {strides = array<i32>} : memref<8192xf32, #tpu.memory_space<vmem>>, vector<16xf32>,
        %parallel_loop3A_79 = arith.addi %parallel_loop3A_70, %add3A_21 : vector<16xi32>
        %parallel_loop3A_80 = tpu.vector_load_idx %arg9[%parallel_loop3A_79] : memref<8256xf32, #tpu.memory_space<vmem>>[vector<16xi32>], vector<16xf32>,
        %parallel_loop3A_81 = arith.constant 128 : i32
        %parallel_loop3A_82 = arith.muli %parallel_loop3A_67, %parallel_loop3A_81 : i32
        %parallel_loop3A_83 = arith.constant 16 : i32
        %parallel_loop3A_84 = arith.addi %parallel_loop3A_82, %parallel_loop3A_83 : i32
        %parallel_loop3A_85 = arith.index_cast %parallel_loop3A_84 : i32 to index
        %parallel_loop3A_86 = tpu.vector_load %arg10[%parallel_loop3A_85] {strides = array<i32>} : memref<8192xf32, #tpu.memory_space<vmem>>, vector<16xf32>,
        tpu.vector_store %arg10[%parallel_loop3A_85], %parallel_loop3A_80 {strides = array<i32>} : memref<8192xf32, #tpu.memory_space<vmem>>, vector<16xf32>,
        %parallel_loop3A_87 = arith.addi %parallel_loop3A_70, %add3A_24 : vector<16xi32>
        %parallel_loop3A_88 = tpu.vector_load_idx %arg9[%parallel_loop3A_87] : memref<8256xf32, #tpu.memory_space<vmem>>[vector<16xi32>], vector<16xf32>,
        %parallel_loop3A_89 = arith.constant 128 : i32
        %parallel_loop3A_90 = arith.muli %parallel_loop3A_67, %parallel_loop3A_89 : i32
        %parallel_loop3A_91 = arith.constant 32 : i32
        %parallel_loop3A_92 = arith.addi %parallel_loop3A_90, %parallel_loop3A_91 : i32
        %parallel_loop3A_93 = arith.index_cast %parallel_loop3A_92 : i32 to index
        %parallel_loop3A_94 = tpu.vector_load %arg10[%parallel_loop3A_93] {strides = array<i32>} : memref<8192xf32, #tpu.memory_space<vmem>>, vector<16xf32>,
        tpu.vector_store %arg10[%parallel_loop3A_93], %parallel_loop3A_88 {strides = array<i32>} : memref<8192xf32, #tpu.memory_space<vmem>>, vector<16xf32>,
        %parallel_loop3A_95 = arith.addi %parallel_loop3A_70, %add3A_27 : vector<16xi32>
        %parallel_loop3A_96 = tpu.vector_load_idx %arg9[%parallel_loop3A_95] : memref<8256xf32, #tpu.memory_space<vmem>>[vector<16xi32>], vector<16xf32>,
        %parallel_loop3A_97 = arith.constant 128 : i32
        %parallel_loop3A_98 = arith.muli %parallel_loop3A_67, %parallel_loop3A_97 : i32
        %parallel_loop3A_99 = arith.constant 48 : i32
        %parallel_loop3A_100 = arith.addi %parallel_loop3A_98, %parallel_loop3A_99 : i32
        %parallel_loop3A_101 = arith.index_cast %parallel_loop3A_100 : i32 to index
        %parallel_loop3A_102 = tpu.vector_load %arg10[%parallel_loop3A_101] {strides = array<i32>} : memref<8192xf32, #tpu.memory_space<vmem>>, vector<16xf32>,
        tpu.vector_store %arg10[%parallel_loop3A_101], %parallel_loop3A_96 {strides = array<i32>} : memref<8192xf32, #tpu.memory_space<vmem>>, vector<16xf32>,
        %parallel_loop3A_103 = arith.addi %parallel_loop3A_70, %add3A_30 : vector<16xi32>
        %parallel_loop3A_104 = tpu.vector_load_idx %arg9[%parallel_loop3A_103] : memref<8256xf32, #tpu.memory_space<vmem>>[vector<16xi32>], vector<16xf32>,
        %parallel_loop3A_105 = arith.constant 128 : i32
        %parallel_loop3A_106 = arith.muli %parallel_loop3A_67, %parallel_loop3A_105 : i32
        %parallel_loop3A_107 = arith.constant 64 : i32
        %parallel_loop3A_108 = arith.addi %parallel_loop3A_106, %parallel_loop3A_107 : i32
        %parallel_loop3A_109 = arith.index_cast %parallel_loop3A_108 : i32 to index
        %parallel_loop3A_110 = tpu.vector_load %arg10[%parallel_loop3A_109] {strides = array<i32>} : memref<8192xf32, #tpu.memory_space<vmem>>, vector<16xf32>,
        tpu.vector_store %arg10[%parallel_loop3A_109], %parallel_loop3A_104 {strides = array<i32>} : memref<8192xf32, #tpu.memory_space<vmem>>, vector<16xf32>,
        %parallel_loop3A_111 = arith.addi %parallel_loop3A_70, %add3A_33 : vector<16xi32>
        %parallel_loop3A_112 = tpu.vector_load_idx %arg9[%parallel_loop3A_111] : memref<8256xf32, #tpu.memory_space<vmem>>[vector<16xi32>], vector<16xf32>,
        %parallel_loop3A_113 = arith.constant 128 : i32
        %parallel_loop3A_114 = arith.muli %parallel_loop3A_67, %parallel_loop3A_113 : i32
        %parallel_loop3A_115 = arith.constant 80 : i32
        %parallel_loop3A_116 = arith.addi %parallel_loop3A_114, %parallel_loop3A_115 : i32
        %parallel_loop3A_117 = arith.index_cast %parallel_loop3A_116 : i32 to index
        %parallel_loop3A_118 = tpu.vector_load %arg10[%parallel_loop3A_117] {strides = array<i32>} : memref<8192xf32, #tpu.memory_space<vmem>>, vector<16xf32>,
        tpu.vector_store %arg10[%parallel_loop3A_117], %parallel_loop3A_112 {strides = array<i32>} : memref<8192xf32, #tpu.memory_space<vmem>>, vector<16xf32>,
        %parallel_loop3A_119 = arith.addi %parallel_loop3A_70, %add3A_36 : vector<16xi32>
        %parallel_loop3A_120 = tpu.vector_load_idx %arg9[%parallel_loop3A_119] : memref<8256xf32, #tpu.memory_space<vmem>>[vector<16xi32>], vector<16xf32>,
        %parallel_loop3A_121 = arith.constant 128 : i32
        %parallel_loop3A_122 = arith.muli %parallel_loop3A_67, %parallel_loop3A_121 : i32
        %parallel_loop3A_123 = arith.constant 96 : i32
        %parallel_loop3A_124 = arith.addi %parallel_loop3A_122, %parallel_loop3A_123 : i32
        %parallel_loop3A_125 = arith.index_cast %parallel_loop3A_124 : i32 to index
        %parallel_loop3A_126 = tpu.vector_load %arg10[%parallel_loop3A_125] {strides = array<i32>} : memref<8192xf32, #tpu.memory_space<vmem>>, vector<16xf32>,
        tpu.vector_store %arg10[%parallel_loop3A_125], %parallel_loop3A_120 {strides = array<i32>} : memref<8192xf32, #tpu.memory_space<vmem>>, vector<16xf32>,
        %parallel_loop3A_127 = arith.addi %parallel_loop3A_70, %add3A_39 : vector<16xi32>
        %parallel_loop3A_128 = tpu.vector_load_idx %arg9[%parallel_loop3A_127] : memref<8256xf32, #tpu.memory_space<vmem>>[vector<16xi32>], vector<16xf32>,
        %parallel_loop3A_129 = arith.constant 128 : i32
        %parallel_loop3A_130 = arith.muli %parallel_loop3A_67, %parallel_loop3A_129 : i32
        %parallel_loop3A_131 = arith.constant 112 : i32
        %parallel_loop3A_132 = arith.addi %parallel_loop3A_130, %parallel_loop3A_131 : i32
        %parallel_loop3A_133 = arith.index_cast %parallel_loop3A_132 : i32 to index
        %parallel_loop3A_134 = tpu.vector_load %arg10[%parallel_loop3A_133] {strides = array<i32>} : memref<8192xf32, #tpu.memory_space<vmem>>, vector<16xf32>,
        tpu.vector_store %arg10[%parallel_loop3A_133], %parallel_loop3A_128 {strides = array<i32>} : memref<8192xf32, #tpu.memory_space<vmem>>, vector<16xf32>,
      } {sc.loop_unroll_factor = 4 : i64, sc.parallel_access}
      %mul3A_65 = arith.constant 128 : i32
      %mul3A_66 = arith.muli %add3A_48, %mul3A_65 : i32
      "tpu.region"() ({
        %run_scoped3A = tpu.sem_alloc : memref<!tpu.dma_semaphore, #tpu.memory_space<semaphore_mem>>
        %dma_start3A = tpu.memref_slice %arg4[%mul3A_66] : memref<16777216xf32, #tpu.memory_space<hbm>> -> memref<8192xf32, #tpu.memory_space<hbm>>
        %dma_start3A_67 = tpu.memref_slice %arg4[%mul3A_66] : memref<16777216xf32, #tpu.memory_space<hbm>> -> memref<8192xf32, #tpu.memory_space<hbm>>
        tpu.enqueue_dma source(%arg10 : memref<8192xf32, #tpu.memory_space<vmem>>) target(%dma_start3A_67 : memref<8192xf32, #tpu.memory_space<hbm>>) target_semaphore(%run_scoped3A : memref<!tpu.dma_semaphore, #tpu.memory_space<semaphore_mem>>)
        %dma_wait3A = tpu.memref_slice %arg4[%mul3A_66] : memref<16777216xf32, #tpu.memory_space<hbm>> -> memref<8192xf32, #tpu.memory_space<hbm>>
        %dma_wait3A_68 = tpu.memref_slice %arg4[%mul3A_66] : memref<16777216xf32, #tpu.memory_space<hbm>> -> memref<8192xf32, #tpu.memory_space<hbm>>
        tpu.wait_dma2 semaphore(%run_scoped3A : memref<!tpu.dma_semaphore, #tpu.memory_space<semaphore_mem>>) src(%arg10 : memref<8192xf32, #tpu.memory_space<vmem>>) dst(%dma_wait3A_68 : memref<8192xf32, #tpu.memory_space<hbm>>)
        tpu.yield
      }) : () -> ()
    }
    %scan3A_44 = arith.constant 64 : i32
    return
  }
}

</mosaic_0001>

<sc_bundles>
// kernel: kernel.3.cloned.1.call-start
scs
__scs_entry_jumppad:
0x0: {  	(pc) =	sbr.rel $0x88, $3  }
0x1: {  	(tag) =	ssettag $0x0;
	lr =	simm.s32 $0x1  }
0x2: {  	[smem:$0x3F9C] =	sst lr;
	_ =	strace $0xD0000000  }
0x3: {  	_ = 	snop  }
0x4: {  	_ = 	snop  }
0x5: {  	_ = 	snop  }
0x6: {  	_ = 	snop  }
0x7: {  	_ = 	snop  }
__scs_overlays_trampoline_lowered:
0x8: {  	[smem:$0x3FAB] =	sst s0  }
0x9: {  	[smem:$0x3FAC] =	sst s1  }
0xa: {  	[smem:$0x3FAD] =	sst s2  }
0xb: {  	[smem:$0x3FAE] =	sst s3  }
0xc: {  	[smem:$0x3FAF] =	sst s4  }
0xd: {  	[smem:$0x3FB0] =	sst s5  }
0xe: {  	[smem:$0x3FB1] =	sst s6  }
0xf: {  	[smem:$0x3FB2] =	sst s7  }
0x10: {  	[smem:$0x3FB3] =	sst s8  }
0x11: {  	[smem:$0x3FB4] =	sst s9;
	s0 =	simm.s32 @!p0 $0x0  }
0x12: {  	s1 =	sld [smem:$0x3F9A];
	s0 =	simm.s32 @p0 $0x1  }
0x13: {  	[smem:$0x3FB5] =	sst s0;
	s0 =	simm.s32 @!p1 $0x0  }
0x14: {  	s2 =	sld [smem:$0x3F99];
	s0 =	simm.s32 @p1 $0x1  }
0x15: {  	[smem:$0x3FB6] =	sst s0;
	s0 =	simm.s32 @!p2 $0x0  }
0x16: {  	s3 =	sld [smem:$0x3FDB];
	s0 =	simm.s32 @p2 $0x1  }
0x17: {  	s4 =	simm.s32 $0x1BF5;
	[smem:$0x3FB8] =	sst s0  }
0x18: {  	s0 =	sld [smem:$0x3F9B];
	_ =	swait.ge [sflag:s4], $0x0  }
0x19: {  	s7 =	sld [smem:$0x3F9C]  }
0x1a: {  	s8 =	sadd.s32 $0xFFFFE003, lr  }
0x1b: {  	s9 =	sadd.s32 $0xFFFFFEF7, lr;
	s5 =	simm.s32 $0xFFFFFFFF;
	p2 =	slt.u32 s8, $0xFFFFF086  }
0x1c: {  	p1 =	slt.u32 s9, $0xF7A;
	s5 =	simm.s32 @!p2 $0x0  }
0x1d: {  	s5 =	simm.s32 @p1 $0x1;
	p0 =	seq.s32 s7, s2  }
0x1e: {  	s7 =	smul.u32 @!p0 $0xF7A, s2;
	p2 =	seq.s32 @!p0 s5, $0x0  }
0x1f: {  	s9 =	smul.u32 $0xF7A, s1;
	s8 =	simm.s32 @!p0 $0x1BF5;
	p2 =	por !p2, p0  }
0x20: {  	[sflag:s8] =	ssyncset.s32 @!p0 $0xFFFFF086;
	s6 =	sadd.s32 @!p0 s3, s7;
	s7 =	simm.s32 @!p0 $0x108  }
0x21: {  	s3 =	sadd.s32 s3, s9;
	s6 =	sadd.s32 @!p0 $0x88, s6;
	s7 =	simm.s32 @p2 $0x1082  }
0x22: {  	[simem:s7], [sflag:s8] =	dma.local @!p0 [hbm:s6], $0xF7A  }
0x23: {  	s9 =	sor.u32 $0xD0000000, s2;
	s6 =	simm.s32 $0x108;
	_ =	swait.ge @!p0 [sflag:s8], $0x0  }
0x24: {  	s3 =	sadd.s32 $0x88, s3;
	s6 =	simm.s32 @!p1 $0x1082;
	[sflag:s4] =	ssyncset.s32 $0xFFFFF086  }
0x25: {  	[simem:s6], [sflag:s4] =	dma.local [hbm:s3], $0xF7A  }
0x26: {  	[smem:$0x3F9C] =	sst s1;
	(tag) =	ssettag s2;
	_ =	strace s9  }
0x27: {  	s1 =	sld [smem:$0x3FAC]  }
0x28: {  	s2 =	sld [smem:$0x3FAD]  }
0x29: {  	s4 =	sld [smem:$0x3FAF]  }
0x2a: {  	p0 =	seq.s32 s5, $0x0;
	s5 =	sld [smem:$0x3FB0]  }
0x2b: {  	s6 =	sld [smem:$0x3FB1]  }
0x2c: {  	s7 =	sld [smem:$0x3FB2]  }
0x2d: {  	s3 =	simm.s32 $0x108;
	s8 =	sld [smem:$0x3FB3]  }
0x2e: {  	s3 =	simm.s32 @!p0 $0x1082;
	s9 =	sld [smem:$0x3FB4]  }
0x2f: {  	lr =	sadd.s32 s0, s3;
	s0 =	sld [smem:$0x3FAB]  }
0x30: {  	s3 =	sld [smem:$0x3FAE]  }
0x31: {  	[smem:$0x3FB7] =	sst s10  }
0x32: {  	s10 =	sld [smem:$0x3FB5];
	_ =	sdelay $0x3  }
0x33: {  	p0 =	seq.s32 s10, $0x1;
	s10 =	sld [smem:$0x3FB7];
	_ =	sdelay $0x3  }
0x34: {  	[smem:$0x3FB7] =	sst s10  }
0x35: {  	s10 =	sld [smem:$0x3FB6];
	_ =	sdelay $0x3  }
0x36: {  	p1 =	seq.s32 s10, $0x1;
	s10 =	sld [smem:$0x3FB7];
	_ =	sdelay $0x3  }
0x37: {  	[smem:$0x3FB7] =	sst s10  }
0x38: {  	s10 =	sld [smem:$0x3FB8]  }
0x39: {  	_ = 	snop;
	(pc) =	sbr.ind lr, $3  }
0x3a: {  	_ = 	snop  }
0x3b: {  	_ = 	snop  }
0x3c: {  	p2 =	seq.s32 s10, $0x1;
	s10 =	sld [smem:$0x3FB7]  }
0x3d: {  	_ =	shalt  }
0x3e: {  	_ =	shalt  }
0x3f: {  	_ =	shalt  }
0x40: {  	_ =	shalt  }
0x41: {  	_ =	shalt  }
0x42: {  	_ =	shalt  }
0x43: {  	_ =	shalt  }
0x44: {  	_ =	shalt  }
0x45: {  	_ =	shalt  }
0x46: {  	_ =	shalt  }
0x47: {  	_ =	shalt  }
0x48: {  	_ =	shalt  }
0x49: {  	_ =	shalt  }
0x4a: {  	_ =	shalt  }
0x4b: {  	_ =	shalt  }
0x4c: {  	_ =	shalt  }
0x4d: {  	_ =	shalt  }
0x4e: {  	_ =	shalt  }
0x4f: {  	_ =	shalt  }
0x50: {  	_ =	shalt  }
0x51: {  	_ =	shalt  }
0x52: {  	_ =	shalt  }
0x53: {  	_ =	shalt  }
0x54: {  	_ =	shalt  }
0x55: {  	_ =	shalt  }
0x56: {  	_ =	shalt  }
0x57: {  	_ =	shalt  }
0x58: {  	_ =	shalt  }
0x59: {  	_ =	shalt  }
0x5a: {  	_ =	shalt  }
0x5b: {  	_ =	shalt  }
0x5c: {  	_ =	shalt  }
0x5d: {  	_ =	shalt  }
0x5e: {  	_ =	shalt  }
0x5f: {  	_ =	shalt  }
0x60: {  	_ =	shalt  }
0x61: {  	_ =	shalt  }
0x62: {  	_ =	shalt  }
0x63: {  	_ =	shalt  }
0x64: {  	_ =	shalt  }
0x65: {  	_ =	shalt  }
0x66: {  	_ =	shalt  }
0x67: {  	_ =	shalt  }
0x68: {  	_ =	shalt  }
0x69: {  	_ =	shalt  }
0x6a: {  	_ =	shalt  }
0x6b: {  	_ =	shalt  }
0x6c: {  	_ =	shalt  }
0x6d: {  	_ =	shalt  }
0x6e: {  	_ =	shalt  }
0x6f: {  	_ =	shalt  }
0x70: {  	_ =	shalt  }
0x71: {  	_ =	shalt  }
0x72: {  	_ =	shalt  }
0x73: {  	_ =	shalt  }
0x74: {  	_ =	shalt  }
0x75: {  	_ =	shalt  }
0x76: {  	_ =	shalt  }
0x77: {  	_ =	shalt  }
0x78: {  	_ =	shalt  }
0x79: {  	_ =	shalt  }
0x7a: {  	_ =	shalt  }
0x7b: {  	_ =	shalt  }
0x7c: {  	_ =	shalt  }
0x7d: {  	_ =	shalt  }
0x7e: {  	_ =	shalt  }
0x7f: {  	_ =	shalt  }
0x80: {  	_ =	shalt  }
0x81: {  	_ =	shalt  }
0x82: {  	_ =	shalt  }
0x83: {  	_ =	shalt  }
0x84: {  	_ =	shalt  }
0x85: {  	_ =	shalt  }
0x86: {  	_ =	shalt  }
0x87: {  	_ =	shalt  }
.Lfunc_end0:
.L_simem_size_0:
called_computation_lowered:
.L_overlay_start_0:
0x88: {  	s2 =	sld [smem:$0x3FD9]  }
0x89: {  	s3 =	sld [smem:$0x3FFE];
	_ =	sdelay $0x1  }
0x8a: {  	s1 =	srdreg.scid  }
0x8b: {  	s0 =	sand.u32 $0x1, s1  }
0x8c: {  	s14 =	sshll.u32 s0, $0xA;
	s2 =	sadd.s32 s3, s2  }
0x8d: {  	s2 =	sadd.s32 s2, s14  }
0x8e: {  	[smem:$0x3FC3] =	sst s2  }
0x8f: {  	_ = 	snop  }
0x90: {  	s2 =	sld [smem:$0x3FD0];
	_ =	sdelay $0x2  }
0x91: {  	s15 =	simm.s32 $0xA;
	s4 =	simm.s32 $0x10  }
0x92: {  	[smem:s4], [sflag:s15] =	dma.local [hbm:s2], $0x1  }
0x93: {  	_ =	swait.eq [sflag:s15], $0x1  }
0x94: {  	[sflag:s15] =	ssyncset.done $0x0  }
0x95: {  	[sflag:s15] =	ssyncadd.s32 $0xFFFFFFFF  }
0x96: {  	s16 =	sld [smem:$0x12];
	(tm) =	ssettm $0x1  }
0x97: {  	s17 =	sld [smem:$0x3FFB];
	_ =	sdelay $0x3  }
0x98: {  	_ =	strace s17  }
0x99: {  	s3 =	sld [smem:$0x3FFC];
	_ =	sdelay $0x3  }
0x9a: {  	_ =	strace s3  }
0x9b: {  	s3 =	sld [smem:$0x3FFD];
	_ =	sdelay $0x3  }
0x9c: {  	_ =	strace s3  }
0x9d: {  	_ =	strace $0x8FFFFFFF  }
0x9e: {  	s18 =	sld [smem:$0x3FDB];
	_ =	sdelay $0x1  }
0x9f: {  	s19 =	simm.s32 $_scs_section_size  }
0xa0: {  	s5 =	simm.s32 $_size__tile_overlayer_lowered;
	s6 =	simm.s32 $_tile_overlayer_lowered  }
0xa1: {  	s22 =	simm.s32 $0x1BFF;
	s21 =	sshll.u32 s6, $0x1;
	s3 =	sadd.s32 s19, s18  }
0xa2: {  	s7 =	simm.s32 $0x0;
	s20 =	sshll.u32 s5, $0x1;
	s5 =	sadd.s32 s21, s3  }
0xa3: {  	[timem:s7], [sflag:s22] =	dma.local [hbm:s5], s20  }
0xa4: {  	_ =	swait.ge [sflag:s22], s20  }
0xa5: {  	s4 =	ssub.s32 $0x0, s20;
	[sflag:s22] =	ssyncset.done $0x0  }
0xa6: {  	[sflag:s22] =	ssyncadd.s32 s4;
	_ =	sdelay $0x1  }
0xa7: {  	s23 =	simm.s32 $0x1B8B  }
0xa8: {  	_ =	swait.ge [sflag:s23], $0x1  }
0xa9: {  	[sflag:s23] =	ssyncset.done $0x0  }
0xaa: {  	s25 =	simm.s32 $0x1B8E;
	s24 =	sld [smem:$0x3FFE];
	[sflag:s23] =	ssyncadd.s32 $0xFFFFFFFF  }
0xab: {  	s26 =	simm.s32 $execute0_lowered;
	[smem:$0x3FD2] =	sst s25  }
0xac: {  	s5 =	sshll.u32 s26, $0x1;
	_ =	strace $0x80000046;
	[dreg:$0x1] =	wrdreg $0xFFFFFFFF  }
0xad: {  	s28 =	simm.s32 $_size_execute0_lowered;
	s3 =	sadd.s32 s3, s5;
	[dreg:$0x0] =	wrdreg $0x0  }
0xae: {  	s5 =	sshll.u32 s28, $0x1;
	[dreg:$0x2] =	wrdreg s3  }
0xaf: {  	[dreg:$0x3] =	wrdreg s5  }
0xb0: {  	[dreg:$0x4] =	wrdreg $0xC0  }
0xb1: {  	_ =	task [dreg:s7], $0x5FFFF  }
0xb2: {  	[dreg:$0x1] =	wrdreg $0xFFFFFFFF  }
0xb3: {  	[dreg:$0x0] =	wrdreg $0x60  }
0xb4: {  	[dreg:$0x2] =	wrdreg s24  }
0xb5: {  	[dreg:$0x3] =	wrdreg s16  }
0xb6: {  	[dreg:$0x4] =	wrdreg $0x9  }
0xb7: {  	_ =	task.clear_ibuf [dreg:s7], $0x5FFFF;
	_ =	strace $0x90000046  }
0xb8: {  	s29 =	simm.s32 $0x9;
	_ =	strace $0x80000048  }
0xb9: {  	_ =	swait.ge [sflag:s29], $0x1  }
0xba: {  	[sflag:s29] =	ssyncadd.s32 $0xFFFFFFFF  }
0xbb: {  	_ =	strace $0x90000048  }
0xbc: {  	_ =	sfence  }
0xbd: {  	s30 =	sld [smem:$0x0];
	_ =	sdelay $0x2  }
0xbe: {  	s31 =	sshll.u32 s1, $0xD;
	s1 =	sshrl.u32 s1, $0x2  }
0xbf: {  	s3 =	sand.u32 $0x4000, s31;
	s1 =	sadd.s32 s1, s30  }
0xc0: {  	s0 =	sor.u32 s3, s0;
	s1 =	sshll.u32 s1, $0x11  }
0xc1: {  	s0 =	sor.u32 s1, s0  }
0xc2: {  	s0 =	sadd.s32 $0x8F2B, s0  }
0xc3: {  	[sflag:s0] =	ssyncadd.remote.s32 $0x1  }
0xc4: {  	_ =	sfence.sel $0xFFFF  }
0xc5: {  	[dreg:$0x0] =	wrdreg $0xFFFFFFFF;
	(pc) =	sbr.abs _section_cstart, $3  }
0xc6: {  	[dreg:$0x1] =	wrdreg $0xFFFFFFFF  }
0xc7: {  	_ =	task.clear_ibuf [dreg:s7], $0x2FFFF;
	_ =	strace $0x9FFFFFFF  }
0xc8: {  	(tm) =	ssettm $0x7FFFFFFF  }
0xc9: {  	_ =	shalt  }
tec
execute0_lowered:
.L_overlay_start_1:
0x0: {  	(tag) =	ssettag $0x1  }
0x1: {  	s0 =	rddreg [dreg:$0x0]  }
0x2: {  	s1 =	simm.s32 $0x0;
	s3 =	srdreg.scid;
	s29 =	stileid.u32  }
0x3: {  	s8 =	simm.s32 $0x1;
	s9 =	simm.s32 $0x1000;
	s10 =	simm.s32 $0x2000  }
0x4: {  	s11 =	simm.s32 $0x3080;
	s12 =	simm.s32 $0x8580;
	s13 =	simm.s32 $0x8A00  }
0x5: {  	s14 =	simm.s32 $0x8E80;
	s15 =	simm.s32 $0x4100;
	s3 =	sand.u32 $0x1, s3  }
0x6: {  	v0 =	vlaneseq.u32;
	s16 =	simm.s32 $0x6180;
	s18 =	simm.s32 $0x0;
	s6 =	ssub.s32 $0x2, s3  }
0x7: {  	[smem:$0x7FF] =	sst s1;
	s4 =	sadd.s32 $0xA00, s0;
	v3 =	vmul.u32 $0x41, v0;
	v6 =	vmul.u32 $0x81, v0;
	s30 =	sshrl.u32 s6, $0x1  }
0x8: {  	s5 =	sadd.s32 $0x100A00, s0;
	s31 =	sshll.u32 s29, $0xD;
	s0 =	ssub.s32 s6, s30  }
0x9: {  	v1 =	vimm.s32 $0x0;
	v7 =	vimm.s32 $0x1;
	_ =	strace $0x80000047;
	s3 =	sshll.u32 s3, $0xC;
	[tilespmem:$0x1FFE0] =	vst v6;
	v6 =	vadd.s32 $0x1, v3;
	s0 =	smax.u32 s0, $0x1  }
0xa: {  	v2 =	vor.u32 $0x10, v0;
	v4 =	vor.u32 $0x20, v0;
	v5 =	vor.u32 $0x30, v0;
	s1 =	simm.s32 $0x0;
	s6 =	sor.u32 s3, s31;
	[tilespmem:$0x1FFF0] =	vst v6;
	[dreg:$0x3] =	wrdreg s0  }
.LBB2_1:
0xb: {  	[dreg:$0x4] =	wrdreg s1;
	s0 =	simm.s32 $0x8A40  }
0xc: {  	[tilespmem:s0+$0x30] =	vst v1  }
0xd: {  	[tilespmem:s0+$0xFFFFFFF0] =	vst v1  }
0xe: {  	[tilespmem:s0+$0xFFFFFFC0] =	vst v1  }
0xf: {  	[tilespmem:s0+$0xFFFFFFE0] =	vst v1  }
0x10: {  	[tilespmem:s0+$0x10] =	vst v1  }
0x11: {  	[tilespmem:s0+$0x20] =	vst v1  }
0x12: {  	[tilespmem:s0+$0x0] =	vst v1  }
0x13: {  	s3 =	simm.s32 $0x8EC0;
	[tilespmem:s0+$0xFFFFFFD0] =	vst v1  }
0x14: {  	[tilespmem:s3+$0xFFFFFFC0] =	vst v1  }
0x15: {  	[tilespmem:s3+$0x30] =	vst v1  }
0x16: {  	[tilespmem:s3+$0x20] =	vst v1  }
0x17: {  	[tilespmem:s3+$0x10] =	vst v1  }
0x18: {  	[tilespmem:s3+$0xFFFFFFE0] =	vst v1  }
0x19: {  	[tilespmem:s3+$0x0] =	vst v1  }
0x1a: {  	s7 =	simm.s32 $0x0;
	[tilespmem:s3+$0xFFFFFFF0] =	vst v1  }
.LBB2_2:
0x1b: {  	s7 =	sadd.s32 $0x8, s7;
	[tilespmem:s3+$0xFFFFFFD0] =	vst v1;
	s0 =	sadd.s32 $0x80, s0;
	s3 =	sadd.s32 $0x80, s3  }
0x1c: {  	[tilespmem:s0+$0x30] =	vst v1;
	p0 =	slt.u32 s7, $0x38  }
0x1d: {  	[tilespmem:s0+$0xFFFFFFF0] =	vst v1  }
0x1e: {  	[tilespmem:s0+$0xFFFFFFC0] =	vst v1  }
0x1f: {  	[tilespmem:s3+$0xFFFFFFC0] =	vst v1  }
0x20: {  	[tilespmem:s3+$0x30] =	vst v1  }
0x21: {  	[tilespmem:s0+$0xFFFFFFE0] =	vst v1  }
0x22: {  	[tilespmem:s0+$0x10] =	vst v1  }
0x23: {  	[tilespmem:s0+$0x20] =	vst v1  }
0x24: {  	[tilespmem:s3+$0x20] =	vst v1  }
0x25: {  	[tilespmem:s3+$0x10] =	vst v1  }
.Ltmp0:
0x26: {  	[tilespmem:s3+$0xFFFFFFE0] =	vst v1;
	(pc) =	sbr.rel @p0 .LBB2_2-.Ltmp0, $4  }
0x27: {  	[tilespmem:s0+$0x0] =	vst v1  }
0x28: {  	[tilespmem:s3+$0x0] =	vst v1  }
0x29: {  	[tilespmem:s3+$0xFFFFFFF0] =	vst v1  }
0x2a: {  	[tilespmem:s0+$0xFFFFFFD0] =	vst v1  }
0x2b: {  	[tilespmem:s3+$0xFFFFFFD0] =	vst v1  }
0x2c: {  	[tilespmem:$0x8E00] =	vst v1  }
0x2d: {  	s19 =	simm.s32 $0x0;
	[tilespmem:$0x9280] =	vst v1  }
.LBB2_4:
0x2e: {  	s0 =	sshll.u32 s19, $0x6  }
0x2f: {  	s20 =	sadd.s32 s6, s0  }
0x30: {  	s0 =	sshll.u32 s20, $0x3  }
0x31: {  	s3 =	sadd.s32 s4, s0  }
0x32: {  	[tilespmem:s18], [sflag:$0x1] =	stream.linear.gather [hbm4b:s3+s18], $0x1000, $0x38;
	[tilespmem:$0x9300] =	vst v63  }
0x33: {  	_ =	swait.ge [sflag:s8], $0x1000  }
0x34: {  	[sflag:s8] =	ssyncset.done $0x0  }
0x35: {  	s0 =	sadd.s32 s5, s0;
	[sflag:s8] =	ssyncadd.s32 $0xFFFFF000  }
0x36: {  	[tilespmem:s9], [sflag:$0x1] =	stream.linear.gather [hbm4b:s0+s18], $0x1000, $0x38;
	[tilespmem:$0x9300] =	vst v63  }
0x37: {  	_ =	swait.ge [sflag:s8], $0x1000  }
0x38: {  	[sflag:s8] =	ssyncset.done $0x0  }
0x39: {  	s21 =	simm.s32 $0xC3;
	s3 =	simm.s32 $0x80;
	[sflag:s8] =	ssyncadd.s32 $0xFFFFF000  }
0x3a: {  	s24 =	simm.s32 $0x41;
	v11 =	vadd.s32 s21, v0;
	v10 =	vld [tilespmem:s3+$0x40]  }
0x3b: {  	v13 =	vadd.s32 s24, v0;
	v12 =	vld [tilespmem:s3+$0xFFFFFFC0];
	_ =	sdelay $0x1  }
0x3c: {  	s25 =	simm.s32 $0x82  }
0x3d: {  	v14 =	vadd.s32 s25, v0;
	v15 =	vld [tilespmem:s3+$0x0]  }
0x3e: {  	s7 =	simm.s32 $0x1080;
	v16 =	vadd.s32 s18, v0;
	v17 =	vld [tilespmem:s3+$0xFFFFFF80];
	[tilespmem:v11+s10+$0x0] =	vst.idx.msk $0xffff, v10  }
0x3f: {  	[tilespmem:v13+s10+$0x0] =	vst.idx.msk $0xffff, v12;
	v10 =	vld [tilespmem:s7+$0x40]  }
0x40: {  	v12 =	vld [tilespmem:s7+$0xFFFFFFC0];
	_ =	sdelay $0x1  }
0x41: {  	[tilespmem:v14+s10+$0x0] =	vst.idx.msk $0xffff, v15  }
0x42: {  	s23 =	simm.s32 $0xC0;
	[tilespmem:v16+s10+$0x0] =	vst.idx.msk $0xffff, v17;
	v15 =	vld [tilespmem:s7+$0x0]  }
0x43: {  	s28 =	simm.s32 $0x40;
	s1 =	sor.u32 $0x50, s23;
	v17 =	vld [tilespmem:s7+$0xFFFFFF80];
	[tilespmem:v11+s11+$0x0] =	vst.idx.msk $0xffff, v10  }
0x44: {  	s22 =	sor.u32 $0x50, s28;
	[tilespmem:v13+s11+$0x0] =	vst.idx.msk $0xffff, v12;
	v11 =	vadd.s32 s21, v2;
	v10 =	vld [tilespmem:s1+$0x0]  }
0x45: {  	v12 =	vadd.s32 s24, v2;
	v13 =	vld [tilespmem:s22+$0x0];
	_ =	sdelay $0x1  }
0x46: {  	[tilespmem:v14+s11+$0x0] =	vst.idx.msk $0xffff, v15  }
0x47: {  	v14 =	vadd.s32 s25, v2;
	[tilespmem:v16+s11+$0x0] =	vst.idx.msk $0xffff, v17;
	v15 =	vld [tilespmem:s3+$0x10]  }
0x48: {  	v16 =	vadd.s32 s18, v2;
	v17 =	vld [tilespmem:s3+$0xFFFFFF90];
	[tilespmem:v11+s10+$0x0] =	vst.idx.msk $0xffff, v10  }
0x49: {  	[tilespmem:v12+s10+$0x0] =	vst.idx.msk $0xffff, v13;
	v10 =	vld [tilespmem:s1+$0x1000]  }
0x4a: {  	v13 =	vld [tilespmem:s22+$0x1000];
	_ =	sdelay $0x1  }
0x4b: {  	[tilespmem:v14+s10+$0x0] =	vst.idx.msk $0xffff, v15  }
0x4c: {  	[tilespmem:v16+s10+$0x0] =	vst.idx.msk $0xffff, v17;
	v15 =	vld [tilespmem:s7+$0x10]  }
0x4d: {  	s2 =	sor.u32 $0x60, s23;
	v17 =	vld [tilespmem:s7+$0xFFFFFF90];
	[tilespmem:v11+s11+$0x0] =	vst.idx.msk $0xffff, v10  }
0x4e: {  	s17 =	sor.u32 $0x60, s28;
	[tilespmem:v12+s11+$0x0] =	vst.idx.msk $0xffff, v13;
	v11 =	vadd.s32 s21, v4;
	v10 =	vld [tilespmem:s2+$0x0]  }
0x4f: {  	v12 =	vadd.s32 s24, v4;
	v13 =	vld [tilespmem:s17+$0x0];
	_ =	sdelay $0x1  }
0x50: {  	[tilespmem:v14+s11+$0x0] =	vst.idx.msk $0xffff, v15  }
0x51: {  	v14 =	vadd.s32 s25, v4;
	[tilespmem:v16+s11+$0x0] =	vst.idx.msk $0xffff, v17;
	v15 =	vld [tilespmem:s3+$0x20]  }
0x52: {  	v16 =	vadd.s32 s18, v4;
	v17 =	vld [tilespmem:s3+$0xFFFFFFA0];
	[tilespmem:v11+s10+$0x0] =	vst.idx.msk $0xffff, v10  }
0x53: {  	[tilespmem:v12+s10+$0x0] =	vst.idx.msk $0xffff, v13;
	v10 =	vld [tilespmem:s2+$0x1000]  }
0x54: {  	s0 =	simm.s32 $0x1C7;
	s22 =	simm.s32 $0x180;
	v13 =	vld [tilespmem:s17+$0x1000]  }
0x55: {  	s26 =	simm.s32 $0x145;
	v19 =	vadd.s32 s0, v0;
	v18 =	vld [tilespmem:s22+$0x40]  }
0x56: {  	s29 =	simm.s32 $0x186;
	v20 =	vadd.s32 s26, v0;
	[tilespmem:v14+s10+$0x0] =	vst.idx.msk $0xffff, v15;
	v15 =	vld [tilespmem:s22+$0xFFFFFFC0]  }
0x57: {  	s30 =	simm.s32 $0x104;
	v21 =	vld [tilespmem:s22+$0x0];
	[tilespmem:v16+s10+$0x0] =	vst.idx.msk $0xffff, v17;
	v17 =	vadd.s32 s29, v0  }
0x58: {  	v22 =	vadd.s32 s30, v0;
	v23 =	vld [tilespmem:s22+$0xFFFFFF80];
	[tilespmem:v11+s11+$0x0] =	vst.idx.msk $0xffff, v10  }
0x59: {  	s23 =	sor.u32 $0x70, s23;
	[tilespmem:v12+s11+$0x0] =	vst.idx.msk $0xffff, v13;
	v12 =	vld [tilespmem:s7+$0x20]  }
0x5a: {  	[tilespmem:v19+s10+$0x0] =	vst.idx.msk $0xffff, v18;
	v11 =	vadd.s32 s21, v5;
	s21 =	simm.s32 $0x1180;
	v10 =	vld [tilespmem:s23+$0x0]  }
0x5b: {  	[tilespmem:v20+s10+$0x0] =	vst.idx.msk $0xffff, v15;
	v13 =	vld [tilespmem:s21+$0x40]  }
0x5c: {  	[tilespmem:v17+s10+$0x0] =	vst.idx.msk $0xffff, v21;
	v15 =	vld [tilespmem:s21+$0xFFFFFFC0]  }
0x5d: {  	[tilespmem:v22+s10+$0x0] =	vst.idx.msk $0xffff, v23;
	v18 =	vld [tilespmem:s21+$0x0]  }
0x5e: {  	v21 =	vld [tilespmem:s21+$0xFFFFFF80];
	[tilespmem:v14+s11+$0x0] =	vst.idx.msk $0xffff, v12  }
0x5f: {  	v12 =	vld [tilespmem:s7+$0xFFFFFFA0];
	[tilespmem:v11+s10+$0x0] =	vst.idx.msk $0xffff, v10  }
0x60: {  	v10 =	vld [tilespmem:s23+$0x1000];
	s23 =	simm.s32 $0x1C0  }
0x61: {  	s31 =	simm.s32 $0x140;
	[tilespmem:v19+s11+$0x0] =	vst.idx.msk $0xffff, v13;
	s17 =	sor.u32 $0x50, s23  }
0x62: {  	s1 =	sor.u32 $0x50, s31;
	v14 =	vadd.s32 s0, v2;
	[tilespmem:v20+s11+$0x0] =	vst.idx.msk $0xffff, v15;
	v13 =	vld [tilespmem:s17+$0x0]  }
0x63: {  	v15 =	vadd.s32 s26, v2;
	[tilespmem:v17+s11+$0x0] =	vst.idx.msk $0xffff, v18;
	v19 =	vld [tilespmem:s1+$0x0]  }
0x64: {  	v17 =	vadd.s32 s29, v2;
	[tilespmem:v22+s11+$0x0] =	vst.idx.msk $0xffff, v21;
	v18 =	vld [tilespmem:s22+$0x10]  }
0x65: {  	s28 =	sor.u32 $0x70, s28;
	v20 =	vadd.s32 s30, v2;
	v21 =	vld [tilespmem:s22+$0xFFFFFF90];
	[tilespmem:v16+s11+$0x0] =	vst.idx.msk $0xffff, v12  }
0x66: {  	v22 =	vadd.s32 s24, v5;
	[tilespmem:v11+s11+$0x0] =	vst.idx.msk $0xffff, v10;
	v11 =	vld [tilespmem:s28+$0x0]  }
0x67: {  	v12 =	vld [tilespmem:s3+$0x30];
	v10 =	vadd.s32 s25, v5;
	[tilespmem:v14+s10+$0x0] =	vst.idx.msk $0xffff, v13  }
0x68: {  	[tilespmem:v15+s10+$0x0] =	vst.idx.msk $0xffff, v19;
	v13 =	vld [tilespmem:s17+$0x1000]  }
0x69: {  	[tilespmem:v17+s10+$0x0] =	vst.idx.msk $0xffff, v18;
	v16 =	vld [tilespmem:s1+$0x1000]  }
0x6a: {  	[tilespmem:v20+s10+$0x0] =	vst.idx.msk $0xffff, v21;
	v19 =	vld [tilespmem:s21+$0x10]  }
0x6b: {  	v21 =	vld [tilespmem:s21+$0xFFFFFF90];
	[tilespmem:v22+s10+$0x0] =	vst.idx.msk $0xffff, v11  }
0x6c: {  	v24 =	vld [tilespmem:s3+$0xFFFFFFB0];
	v11 =	vadd.s32 s18, v5;
	[tilespmem:v10+s10+$0x0] =	vst.idx.msk $0xffff, v12  }
0x6d: {  	s24 =	sor.u32 $0x60, s23;
	v12 =	vld [tilespmem:s28+$0x1000];
	[tilespmem:v14+s11+$0x0] =	vst.idx.msk $0xffff, v13  }
0x6e: {  	v18 =	vadd.s32 s0, v4;
	s28 =	sor.u32 $0x60, s31;
	[tilespmem:v15+s11+$0x0] =	vst.idx.msk $0xffff, v16;
	v13 =	vld [tilespmem:s24+$0x0]  }
0x6f: {  	[tilespmem:v17+s11+$0x0] =	vst.idx.msk $0xffff, v19;
	v25 =	vld [tilespmem:s28+$0x0];
	v14 =	vadd.s32 s26, v4  }
0x70: {  	[tilespmem:v20+s11+$0x0] =	vst.idx.msk $0xffff, v21;
	v17 =	vadd.s32 s29, v4;
	v23 =	vld [tilespmem:s22+$0x20]  }
0x71: {  	v15 =	vadd.s32 s30, v4;
	v21 =	vld [tilespmem:s22+$0xFFFFFFA0];
	[tilespmem:v11+s10+$0x0] =	vst.idx.msk $0xffff, v24  }
0x72: {  	v19 =	vld [tilespmem:s7+$0x30];
	[tilespmem:v22+s11+$0x0] =	vst.idx.msk $0xffff, v12  }
0x73: {  	s3 =	sor.u32 $0x70, s31;
	s25 =	simm.s32 $0x4;
	v16 =	vadd.s32 s29, v5;
	v20 =	vld [tilespmem:s7+$0xFFFFFFB0];
	[tilespmem:v18+s10+$0x0] =	vst.idx.msk $0xffff, v13  }
0x74: {  	v12 =	vadd.s32 s30, v5;
	s7 =	simm.s32 $0x208;
	[tilespmem:v14+s10+$0x0] =	vst.idx.msk $0xffff, v25;
	v13 =	vadd.s32 s26, v5;
	s26 =	simm.s32 $0x1180;
	v22 =	vld [tilespmem:s24+$0x1000];
	s24 =	simm.s32 $0x180  }
.LBB2_5:
0x75: {  	v24 =	vadd.s32 s7, v0;
	v25 =	vadd.s32 s7, v2;
	v26 =	vadd.s32 s7, v4;
	s1 =	sadd.s32 $0xC3, s7;
	s25 =	sadd.s32 $0x4, s25;
	v27 =	vld [tilespmem:s28+$0x1000];
	[tilespmem:v17+s10+$0x0] =	vst.idx.msk $0xffff, v23;
	s22 =	sadd.s32 $0x100, s22  }
0x76: {  	v23 =	vadd.s32 s7, v5;
	s17 =	sadd.s32 $0x41, s7;
	s28 =	sadd.s32 $0x82, s7;
	v28 =	vld [tilespmem:s22+$0x40];
	v29 =	vadd.s32 s1, v0;
	p0 =	slt.u32 s25, $0x3C;
	[tilespmem:v15+s10+$0x0] =	vst.idx.msk $0xffff, v21  }
0x77: {  	v30 =	vadd.s32 s17, v0;
	v31 =	vadd.s32 s17, v2;
	v32 =	vadd.s32 s28, v0;
	v21 =	vld [tilespmem:s22+$0xFFFFFFC0];
	[tilespmem:v10+s11+$0x0] =	vst.idx.msk $0xffff, v19;
	v10 =	vmovc v16  }
0x78: {  	v34 =	vadd.s32 s28, v2;
	v35 =	vadd.s32 s28, v4;
	v19 =	vadd.s32 s17, v4;
	v33 =	vld [tilespmem:s22+$0x0];
	[tilespmem:v11+s11+$0x0] =	vst.idx.msk $0xffff, v20;
	v11 =	vmovc v12;
	v12 =	vmovc v23  }
0x79: {  	v36 =	vadd.s32 s17, v5;
	v16 =	vadd.s32 s28, v5;
	s17 =	sor.u32 $0x70, s23;
	v20 =	vld [tilespmem:s22+$0xFFFFFF80];
	[tilespmem:v18+s11+$0x0] =	vst.idx.msk $0xffff, v22  }
0x7a: {  	v22 =	vadd.s32 s0, v5;
	s0 =	smov.u32 s1;
	[tilespmem:v14+s11+$0x0] =	vst.idx.msk $0xffff, v27;
	v18 =	vld [tilespmem:s17+$0x0];
	v14 =	vmov v19  }
0x7b: {  	s26 =	sadd.s32 $0x100, s26;
	[tilespmem:v29+s10+$0x0] =	vst.idx.msk $0xffff, v28;
	v19 =	vld [tilespmem:s21+$0x20]  }
0x7c: {  	[tilespmem:v30+s10+$0x0] =	vst.idx.msk $0xffff, v21;
	v21 =	vld [tilespmem:s26+$0x40]  }
0x7d: {  	v23 =	vld [tilespmem:s26+$0xFFFFFFC0];
	[tilespmem:v32+s10+$0x0] =	vst.idx.msk $0xffff, v33  }
0x7e: {  	[tilespmem:v24+s10+$0x0] =	vst.idx.msk $0xffff, v20;
	v20 =	vld [tilespmem:s26+$0x0]  }
0x7f: {  	v27 =	vld [tilespmem:s26+$0xFFFFFF80];
	[tilespmem:v22+s10+$0x0] =	vst.idx.msk $0xffff, v18  }
0x80: {  	s23 =	sadd.s32 $0x100, s23;
	[tilespmem:v17+s11+$0x0] =	vst.idx.msk $0xffff, v19;
	v18 =	vld [tilespmem:s17+$0x1000];
	v17 =	vmov v35  }
0x81: {  	s1 =	sadd.s32 $0xFFFFFF80, s23;
	s17 =	sor.u32 $0x50, s23;
	[tilespmem:v29+s11+$0x0] =	vst.idx.msk $0xffff, v21;
	v19 =	vld [tilespmem:s21+$0xFFFFFFA0]  }
0x82: {  	s29 =	sor.u32 $0x50, s1;
	s28 =	sor.u32 $0x60, s1;
	s1 =	sor.u32 $0x70, s1;
	[tilespmem:v30+s11+$0x0] =	vst.idx.msk $0xffff, v23;
	v21 =	vld [tilespmem:s17+$0x0];
	v23 =	vadd.s32 s0, v2  }
0x83: {  	v28 =	vld [tilespmem:s29+$0x0];
	[tilespmem:v32+s11+$0x0] =	vst.idx.msk $0xffff, v20  }
0x84: {  	[tilespmem:v24+s11+$0x0] =	vst.idx.msk $0xffff, v27;
	v20 =	vld [tilespmem:s22+$0x10]  }
0x85: {  	v24 =	vld [tilespmem:s22+$0xFFFFFF90];
	[tilespmem:v22+s11+$0x0] =	vst.idx.msk $0xffff, v18  }
0x86: {  	[tilespmem:v15+s11+$0x0] =	vst.idx.msk $0xffff, v19;
	v18 =	vld [tilespmem:s3+$0x0];
	v15 =	vmov v26  }
0x87: {  	[tilespmem:v23+s10+$0x0] =	vst.idx.msk $0xffff, v21;
	v19 =	vld [tilespmem:s24+$0x30]  }
0x88: {  	[tilespmem:v31+s10+$0x0] =	vst.idx.msk $0xffff, v28;
	v21 =	vld [tilespmem:s17+$0x1000]  }
0x89: {  	v22 =	vld [tilespmem:s29+$0x1000];
	[tilespmem:v34+s10+$0x0] =	vst.idx.msk $0xffff, v20  }
0x8a: {  	[tilespmem:v25+s10+$0x0] =	vst.idx.msk $0xffff, v24;
	v20 =	vld [tilespmem:s26+$0x10]  }
0x8b: {  	v24 =	vld [tilespmem:s26+$0xFFFFFF90];
	[tilespmem:v13+s10+$0x0] =	vst.idx.msk $0xffff, v18  }
0x8c: {  	v26 =	vld [tilespmem:s24+$0xFFFFFFB0];
	[tilespmem:v10+s10+$0x0] =	vst.idx.msk $0xffff, v19;
	s24 =	smov.u32 s22  }
0x8d: {  	s17 =	sor.u32 $0x60, s23;
	[tilespmem:v23+s11+$0x0] =	vst.idx.msk $0xffff, v21;
	v19 =	vld [tilespmem:s3+$0x1000];
	s3 =	smov.u32 s1  }
0x8e: {  	v18 =	vadd.s32 s0, v4;
	[tilespmem:v31+s11+$0x0] =	vst.idx.msk $0xffff, v22;
	v22 =	vld [tilespmem:s17+$0x0]  }
0x8f: {  	v27 =	vld [tilespmem:s28+$0x0];
	[tilespmem:v34+s11+$0x0] =	vst.idx.msk $0xffff, v20  }
.Ltmp1:
0x90: {  	[tilespmem:v25+s11+$0x0] =	vst.idx.msk $0xffff, v24;
	v23 =	vld [tilespmem:s22+$0x20];
	(pc) =	sbr.rel @p0 .LBB2_5-.Ltmp1, $4  }
0x91: {  	v21 =	vld [tilespmem:s22+$0xFFFFFFA0];
	[tilespmem:v11+s10+$0x0] =	vst.idx.msk $0xffff, v26  }
0x92: {  	[tilespmem:v13+s11+$0x0] =	vst.idx.msk $0xffff, v19;
	v19 =	vld [tilespmem:s21+$0x30];
	v13 =	vmov v36  }
0x93: {  	[tilespmem:v18+s10+$0x0] =	vst.idx.msk $0xffff, v22;
	v20 =	vld [tilespmem:s21+$0xFFFFFFB0];
	s21 =	smov.u32 s26  }
0x94: {  	s7 =	sadd.s32 $0x104, s7;
	[tilespmem:v14+s10+$0x0] =	vst.idx.msk $0xffff, v27;
	v22 =	vld [tilespmem:s17+$0x1000]  }
0x95: {  	_ =	sdelay $0x3  }
0x96: {  	v24 =	vld [tilespmem:s28+$0x1000];
	[tilespmem:v17+s10+$0x0] =	vst.idx.msk $0xffff, v23  }
0x97: {  	[tilespmem:v15+s10+$0x0] =	vst.idx.msk $0xffff, v21;
	v54 =	vld [tilespmem:s21+$0x20]  }
0x98: {  	v55 =	vld [tilespmem:s21+$0xFFFFFFA0];
	_ =	sdelay $0x1  }
0x99: {  	s1 =	sor.u32 $0x70, s23;
	[tilespmem:v18+s11+$0x0] =	vst.idx.msk $0xffff, v22  }
0x9a: {  	v57 =	vadd.s32 s0, v5;
	[tilespmem:v14+s11+$0x0] =	vst.idx.msk $0xffff, v24;
	v56 =	vld [tilespmem:s1+$0x0]  }
0x9b: {  	[tilespmem:v17+s11+$0x0] =	vst.idx.msk $0xffff, v54;
	v58 =	vld [tilespmem:s3+$0x0]  }
0x9c: {  	[tilespmem:v15+s11+$0x0] =	vst.idx.msk $0xffff, v55;
	v59 =	vld [tilespmem:s24+$0x30]  }
0x9d: {  	v60 =	vld [tilespmem:s24+$0xFFFFFFB0];
	_ =	sdelay $0x1  }
0x9e: {  	[tilespmem:v57+s10+$0x0] =	vst.idx.msk $0xffff, v56  }
0x9f: {  	v14 =	vld [tilespmem:s1+$0x1000];
	[tilespmem:v13+s10+$0x0] =	vst.idx.msk $0xffff, v58  }
0xa0: {  	[tilespmem:v16+s10+$0x0] =	vst.idx.msk $0xffff, v59;
	v61 =	vld [tilespmem:s3+$0x1000]  }
0xa1: {  	[tilespmem:v12+s10+$0x0] =	vst.idx.msk $0xffff, v60;
	v62 =	vld [tilespmem:s21+$0x30]  }
0xa2: {  	[tilespmem:v10+s11+$0x0] =	vst.idx.msk $0xffff, v19;
	v63 =	vld [tilespmem:s21+$0xFFFFFFB0]  }
0xa3: {  	[tilespmem:v11+s11+$0x0] =	vst.idx.msk $0xffff, v20  }
0xa4: {  	[tilespmem:v57+s11+$0x0] =	vst.idx.msk $0xffff, v14  }
0xa5: {  	[tilespmem:v13+s11+$0x0] =	vst.idx.msk $0xffff, v61  }
0xa6: {  	[tilespmem:v16+s11+$0x0] =	vst.idx.msk $0xffff, v62  }
0xa7: {  	s21 =	simm.s32 $0x0;
	[tilespmem:v12+s11+$0x0] =	vst.idx.msk $0xffff, v63  }
.LBB2_7:
0xa8: {  	s0 =	smul.u32 $0x410, s21;
	_ =	sdelay $0x1  }
0xa9: {  	s1 =	simm.s32 $0x1;
	v10 =	vadd.s32 s0, v3  }
0xaa: {  	v11 =	vadd.s32 s1, v10  }
0xab: {  	s30 =	simm.s32 $0x2  }
0xac: {  	v12 =	vadd.s32 s30, v10  }
0xad: {  	v13 =	vimm.f32 $0.0e+00;
	s31 =	simm.s32 $0x3  }
0xae: {  	[tilespmem:$0x8180] =	vst v13;
	v14 =	vadd.s32 s31, v10  }
0xaf: {  	s2 =	simm.s32 $0x4;
	v11 =	vld.idx.msk [tilespmem:v11+s11+$0x0], $0xffff  }
0xb0: {  	v15 =	vadd.s32 s2, v10  }
0xb1: {  	s3 =	simm.s32 $0x5;
	v12 =	vld.idx.msk [tilespmem:v12+s11+$0x0], $0xffff  }
0xb2: {  	v16 =	vadd.s32 s3, v10  }
0xb3: {  	s7 =	simm.s32 $0x6;
	v14 =	vld.idx.msk [tilespmem:v14+s11+$0x0], $0xffff  }
0xb4: {  	v17 =	vadd.s32 s7, v10;
	v11 =	vadd.f32 $9.999999740e-06, v11  }
0xb5: {  	s17 =	simm.s32 $0x7;
	v15 =	vld.idx.msk [tilespmem:v15+s11+$0x0], $0xffff  }
0xb6: {  	v18 =	vadd.s32 s17, v10;
	v12 =	vadd.f32 $9.999999740e-06, v12;
	v11 =	vadd.f32 v11, v13  }
0xb7: {  	s22 =	simm.s32 $0x8;
	v13 =	vld.idx.msk [tilespmem:v16+s11+$0x0], $0xffff  }
0xb8: {  	v14 =	vadd.f32 $9.999999740e-06, v14;
	v16 =	vadd.s32 s22, v10;
	v12 =	vadd.f32 v12, v11  }
0xb9: {  	s23 =	simm.s32 $0x9;
	v17 =	vld.idx.msk [tilespmem:v17+s11+$0x0], $0xffff  }
0xba: {  	v19 =	vadd.s32 s23, v10;
	v15 =	vadd.f32 $9.999999740e-06, v15;
	v14 =	vadd.f32 v14, v12  }
0xbb: {  	s24 =	simm.s32 $0xA;
	v18 =	vld.idx.msk [tilespmem:v18+s11+$0x0], $0xffff  }
0xbc: {  	v20 =	vadd.s32 s24, v10;
	v13 =	vadd.f32 $9.999999740e-06, v13;
	v15 =	vadd.f32 v15, v14  }
0xbd: {  	s25 =	simm.s32 $0xB;
	v16 =	vld.idx.msk [tilespmem:v16+s11+$0x0], $0xffff  }
0xbe: {  	s26 =	simm.s32 $0x81C0;
	v21 =	vadd.s32 s25, v10;
	v17 =	vadd.f32 $9.999999740e-06, v17;
	v13 =	vadd.f32 v13, v15  }
0xbf: {  	s3 =	simm.s32 $0xC;
	v19 =	vld.idx.msk [tilespmem:v19+s11+$0x0], $0xffff;
	[tilespmem:s26+$0xFFFFFFD0] =	vst v11  }
0xc0: {  	[tilespmem:s26+$0xFFFFFFE0] =	vst v12;
	v12 =	vadd.s32 s3, v10;
	v11 =	vadd.f32 v17, v13;
	v17 =	vadd.f32 $9.999999740e-06, v18  }
0xc1: {  	s28 =	simm.s32 $0xD;
	[tilespmem:s26+$0xFFFFFFF0] =	vst v14;
	v18 =	vld.idx.msk [tilespmem:v20+s11+$0x0], $0xffff  }
0xc2: {  	s29 =	simm.s32 $0xE;
	[tilespmem:s26+$0x0] =	vst v15;
	v20 =	vadd.s32 s28, v10;
	v16 =	vadd.f32 $9.999999740e-06, v16;
	v14 =	vadd.f32 v17, v11  }
0xc3: {  	v22 =	vadd.s32 s29, v10;
	v21 =	vld.idx.msk [tilespmem:v21+s11+$0x0], $0xffff;
	[tilespmem:s26+$0x10] =	vst v13  }
0xc4: {  	s30 =	simm.s32 $0xF;
	v13 =	vadd.f32 $9.999999740e-06, v19;
	[tilespmem:s26+$0x20] =	vst v11;
	v15 =	vadd.f32 v16, v14  }
0xc5: {  	v11 =	vld.idx.msk [tilespmem:v12+s11+$0x0], $0xffff;
	[tilespmem:s26+$0x30] =	vst v14;
	v14 =	vadd.s32 s30, v10  }
0xc6: {  	s31 =	simm.s32 $0x10;
	v17 =	vadd.f32 $9.999999740e-06, v18;
	v16 =	vadd.f32 v13, v15  }
0xc7: {  	v12 =	vmov s0;
	s0 =	simm.s32 $0x8240;
	v13 =	vld.idx.msk [tilespmem:v20+s11+$0x0], $0xffff;
	[tilespmem:s26+$0x40] =	vst v15;
	v15 =	vadd.s32 s31, v10  }
0xc8: {  	s3 =	simm.s32 $0x11;
	v18 =	vadd.f32 $9.999999740e-06, v21;
	[tilespmem:s0+$0xFFFFFFD0] =	vst v16;
	v17 =	vadd.f32 v17, v16;
	v16 =	vld.idx.msk [tilespmem:v22+s11+$0x0], $0xffff  }
.LBB2_8:
0xc9: {  	v19 =	vadd.s32 s3, v10;
	p0 =	slt.u32 s3, $0x31  }
0xca: {  	s1 =	sadd.s32 $0x1, s3;
	v11 =	vadd.f32 $9.999999740e-06, v11;
	[tilespmem:s0+$0xFFFFFFE0] =	vst v17;
	v17 =	vadd.f32 v18, v17;
	v14 =	vld.idx.msk [tilespmem:v14+s11+$0x0], $0xffff  }
0xcb: {  	v18 =	vadd.s32 s1, v10  }
0xcc: {  	s1 =	sadd.s32 $0x2, s3;
	v13 =	vadd.f32 $9.999999740e-06, v13;
	[tilespmem:s0+$0xFFFFFFF0] =	vst v17;
	v11 =	vadd.f32 v11, v17;
	v15 =	vld.idx.msk [tilespmem:v15+s11+$0x0], $0xffff  }
0xcd: {  	v17 =	vadd.s32 s1, v10  }
0xce: {  	s1 =	sadd.s32 $0x3, s3;
	v19 =	vld.idx.msk [tilespmem:v19+s11+$0x0], $0xffff;
	[tilespmem:s0+$0x0] =	vst v11;
	v11 =	vadd.f32 v13, v11;
	v13 =	vadd.f32 $9.999999740e-06, v16  }
0xcf: {  	v16 =	vadd.s32 s1, v10  }
0xd0: {  	s1 =	sadd.s32 $0x4, s3;
	v18 =	vld.idx.msk [tilespmem:v18+s11+$0x0], $0xffff;
	[tilespmem:s0+$0x10] =	vst v11;
	v11 =	vadd.f32 v13, v11;
	v13 =	vadd.f32 $9.999999740e-06, v14  }
0xd1: {  	v20 =	vadd.s32 s1, v10  }
0xd2: {  	s1 =	sadd.s32 $0x5, s3;
	v14 =	vadd.f32 $9.999999740e-06, v15;
	v21 =	vld.idx.msk [tilespmem:v17+s11+$0x0], $0xffff;
	[tilespmem:s0+$0x20] =	vst v11;
	v13 =	vadd.f32 v13, v11  }
0xd3: {  	v22 =	vadd.s32 s1, v10  }
.Ltmp2:
0xd4: {  	s1 =	sadd.s32 $0x6, s3;
	v15 =	vadd.f32 $9.999999740e-06, v19;
	v11 =	vld.idx.msk [tilespmem:v16+s11+$0x0], $0xffff;
	[tilespmem:s0+$0x30] =	vst v13;
	v16 =	vadd.f32 v14, v13;
	(pc) =	sbr.rel @p0 .LBB2_8-.Ltmp2, $4  }
0xd5: {  	s7 =	simm.s32 $0x39;
	s22 =	simm.s32 $0x8510;
	v14 =	vadd.s32 s1, v10  }
0xd6: {  	s1 =	sadd.s32 $0x7, s3;
	v18 =	vadd.f32 $9.999999740e-06, v18;
	v17 =	vadd.f32 v15, v16;
	v13 =	vld.idx.msk [tilespmem:v20+s11+$0x0], $0xffff;
	[tilespmem:s0+$0x40] =	vst v16  }
0xd7: {  	v15 =	vadd.s32 s1, v10;
	s0 =	sadd.s32 $0x80, s0  }
0xd8: {  	s3 =	sadd.s32 $0x8, s3;
	[tilespmem:s0+$0xFFFFFFD0] =	vst v17;
	v17 =	vadd.f32 v18, v17;
	v18 =	vadd.f32 $9.999999740e-06, v21;
	v16 =	vld.idx.msk [tilespmem:v22+s11+$0x0], $0xffff  }
0xd9: {  	_ =	sdelay $0x2  }
0xda: {  	v11 =	vadd.f32 $9.999999740e-06, v11;
	v18 =	vadd.f32 v18, v17  }
0xdb: {  	v14 =	vld.idx.msk [tilespmem:v14+s11+$0x0], $0xffff  }
0xdc: {  	v13 =	vadd.f32 $9.999999740e-06, v13;
	v11 =	vadd.f32 v11, v18  }
0xdd: {  	v15 =	vld.idx.msk [tilespmem:v15+s11+$0x0], $0xffff  }
0xde: {  	v16 =	vadd.f32 $9.999999740e-06, v16;
	v13 =	vadd.f32 v13, v11;
	_ =	sdelay $0x1  }
0xdf: {  	[tilespmem:s0+$0xFFFFFFE0] =	vst v17;
	v14 =	vadd.f32 $9.999999740e-06, v14;
	v16 =	vadd.f32 v16, v13  }
0xe0: {  	[tilespmem:s0+$0xFFFFFFF0] =	vst v18  }
0xe1: {  	[tilespmem:s0+$0x0] =	vst v11;
	v11 =	vadd.f32 $9.999999740e-06, v15;
	v14 =	vadd.f32 v14, v16  }
0xe2: {  	[tilespmem:s0+$0x10] =	vst v13  }
0xe3: {  	[tilespmem:s0+$0x20] =	vst v16;
	v11 =	vadd.f32 v11, v14  }
0xe4: {  	[tilespmem:s0+$0x30] =	vst v14  }
0xe5: {  	[tilespmem:s0+$0x40] =	vst v11  }
.LBB2_10:
0xe6: {  	v13 =	vadd.s32 s7, v10;
	_ =	sdelay $0x4  }
0xe7: {  	v13 =	vld.idx.msk [tilespmem:v13+s11+$0x0], $0xffff;
	_ =	sdelay $0x3  }
0xe8: {  	p0 =	sne.s32 s7, $0x3E  }
.Ltmp3:
0xe9: {  	v13 =	vadd.f32 $9.999999740e-06, v13;
	(pc) =	sbr.rel @p0 .LBB2_10-.Ltmp3, $3  }
0xea: {  	_ = 	snop  }
0xeb: {  	v11 =	vadd.f32 v13, v11;
	_ =	sdelay $0x1  }
0xec: {  	s7 =	sadd.s32 $0x1, s7;
	[tilespmem:s22+$0x0] =	vst v11;
	s22 =	sadd.s32 $0x10, s22  }
0xed: {  	_ =	sdelay $0x2  }
0xee: {  	(erf) = vrcp.f32 v11;
	v6 =	vimm.f32 $0.0e+00  }
0xef: {  	s0 =	simm.s32 $0x81C0;
	[tilespmem:v3+s12+$0x0] =	vst.idx.msk $0xffff, v6  }
0xf0: {  	v13 =	vld [tilespmem:s0+$0x40]  }
0xf1: {  	v14 =	vld [tilespmem:s0+$0xFFFFFFE0]  }
0xf2: {  	v15 =	vld [tilespmem:s0+$0xFFFFFFF0]  }
0xf3: {  	v16 =	vld [tilespmem:s0+$0x0]  }
0xf4: {  	v17 =	vld [tilespmem:s0+$0x10]  }
0xf5: {  	v18 =	vld [tilespmem:s0+$0x20]  }
0xf6: {  	v20 =	vld [tilespmem:s0+$0xFFFFFFD0]  }
0xf7: {  	v23 =	vld [tilespmem:s0+$0x30];
	v11 =	vpop (erf)  }
0xf8: {  	v13 =	vmul.f32 v13, v11  }
0xf9: {  	v14 =	vmul.f32 v14, v11;
	v15 =	vmul.f32 v15, v11  }
0xfa: {  	v16 =	vmul.f32 v16, v11;
	v17 =	vmul.f32 v17, v11  }
0xfb: {  	v18 =	vmul.f32 v18, v11;
	v20 =	vmul.f32 v20, v11  }
0xfc: {  	s1 =	simm.s32 $0x1;
	v23 =	vmul.f32 v23, v11;
	v25 =	vmul.f32 $6.300000000e+01, v13  }
0xfd: {  	s3 =	simm.s32 $0x2;
	v19 =	vadd.s32 s1, v3;
	v26 =	vmul.f32 $6.300000000e+01, v14;
	v51 =	vmul.f32 $6.300000000e+01, v15  }
0xfe: {  	s25 =	simm.s32 $0x3;
	v21 =	vadd.s32 s3, v3;
	v32 =	vmul.f32 $6.300000000e+01, v16;
	v33 =	vmul.f32 $6.300000000e+01, v20  }
0xff: {  	s26 =	simm.s32 $0x4;
	v22 =	vadd.s32 s25, v3;
	v52 =	vmul.f32 $6.300000000e+01, v17;
	v34 =	vmul.f32 $6.300000000e+01, v18  }
0x100: {  	s28 =	simm.s32 $0x5;
	v24 =	vadd.s32 s26, v3;
	v35 =	vmul.f32 $6.300000000e+01, v23;
	v29 =	vtrunc.f32 v25  }
0x101: {  	s29 =	simm.s32 $0x6;
	v27 =	vadd.s32 s28, v3;
	v36 =	vtrunc.f32 v33;
	v37 =	vtrunc.f32 v26  }
0x102: {  	s30 =	simm.s32 $0x7;
	v28 =	vadd.s32 s29, v3;
	v53 =	vtrunc.f32 v51;
	v54 =	vtrunc.f32 v32  }
0x103: {  	s31 =	simm.s32 $0x8;
	v30 =	vadd.s32 s30, v3;
	v55 =	vtrunc.f32 v52;
	v58 =	vtrunc.f32 v34  }
0x104: {  	v59 =	vadd.s32 s31, v3;
	v61 =	vtrunc.f32 v35;
	v31 =	vcvt.f32.s32 v29  }
0x105: {  	vm0 =	vgt.f32 v25, v29;
	vm8 =	vgt.f32 v33, v36;
	vm1 =	vgt.f32 v26, v37  }
0x106: {  	vm2 =	vgt.f32 v51, v53;
	v36 =	vcvt.f32.s32 v36;
	v37 =	vcvt.f32.s32 v37  }
0x107: {  	vm3 =	vgt.f32 v32, v54;
	vm9 =	vgt.f32 v52, v55;
	v33 =	vcvt.f32.s32 v53  }
0x108: {  	vm10 =	vgt.f32 v34, v58;
	v26 =	vcvt.f32.s32 v54;
	v25 =	vcvt.f32.s32 v55  }
0x109: {  	[tilespmem:v21+s12+$0x0] =	vst.idx.msk $0xffff, v14;
	v14 =	vcvt.f32.s32 v58;
	vm11 =	vgt.f32 v35, v61;
	v21 =	vcvt.f32.s32 v61  }
0x10a: {  	v29 =	vsel vm0, $0x1, v1;
	v56 =	vsel vm8, $0x1, v1;
	v57 =	vsel vm1, $0x1, v1  }
0x10b: {  	[tilespmem:v19+s12+$0x0] =	vst.idx.msk $0xffff, v20;
	v60 =	vsel vm2, $0x1, v1;
	v19 =	vsel vm3, $0x1, v1;
	v20 =	vsel vm9, $0x1, v1  }
0x10c: {  	[tilespmem:v22+s12+$0x0] =	vst.idx.msk $0xffff, v15;
	v62 =	vsel vm10, $0x1, v1;
	v15 =	vsel vm11, $0x1, v1;
	v29 =	vadd.s32 v31, v29  }
0x10d: {  	v32 =	vadd.s32 v36, v56;
	v31 =	vadd.s32 v37, v57;
	vm7 =	vlt.s32 v29, $0x40  }
0x10e: {  	v33 =	vadd.s32 v33, v60;
	v19 =	vadd.s32 v26, v19;
	v29 =	vnsel vm7, $0x40, v29  }
0x10f: {  	v20 =	vadd.s32 v25, v20;
	v14 =	vadd.s32 v14, v62;
	v29 =	vshll.u32 v29, $0x4  }
0x110: {  	[tilespmem:v24+s12+$0x0] =	vst.idx.msk $0xffff, v16;
	v21 =	vadd.s32 v21, v15;
	vm12 =	vlt.s32 v32, $0x40;
	v29 =	vor.u32 v0, v29  }
0x111: {  	[tilespmem:v27+s12+$0x0] =	vst.idx.msk $0xffff, v17;
	vm13 =	vlt.s32 v31, $0x40;
	vm14 =	vlt.s32 v33, $0x40;
	vm15 =	vlt.s32 v19, $0x40  }
0x112: {  	[tilespmem:v59+s12+$0x0] =	vst.idx.msk $0xffff, v13;
	vm4 =	vlt.s32 v20, $0x40;
	vm5 =	vlt.s32 v14, $0x40;
	vm6 =	vlt.s32 v21, $0x40  }
0x113: {  	s22 =	simm.s32 $0x8240;
	[tilespmem:v28+s12+$0x0] =	vst.idx.msk $0xffff, v18;
	v22 =	vnsel vm12, $0x40, v32;
	v63 =	vnsel vm13, $0x40, v31;
	v15 =	vnsel vm14, $0x40, v33  }
0x114: {  	[tilespmem:v30+s12+$0x0] =	vst.idx.msk $0xffff, v23;
	v13 =	vld [tilespmem:s22+$0x40];
	v16 =	vnsel vm15, $0x40, v19;
	v17 =	vnsel vm4, $0x40, v20;
	v14 =	vnsel vm5, $0x40, v14  }
0x115: {  	s3 =	simm.s32 $0x11;
	s0 =	simm.s32 $0x9;
	v20 =	vnsel vm6, $0x40, v21;
	v19 =	vshll.u32 v22, $0x4;
	v18 =	vshll.u32 v63, $0x4;
	[tilespmem:v29+s13+$0x0] =	vst.idx.add.s32.msk $0xffff, v7  }
.LBB2_12:
0x116: {  	p0 =	slt.u32 s3, $0x31;
	v21 =	vld [tilespmem:s22+$0xFFFFFFE0];
	v15 =	vshll.u32 v15, $0x4;
	v16 =	vshll.u32 v16, $0x4;
	v17 =	vshll.u32 v17, $0x4  }
0x117: {  	v19 =	vor.u32 v0, v19;
	v14 =	vshll.u32 v14, $0x4;
	v20 =	vshll.u32 v20, $0x4;
	v22 =	vld [tilespmem:s22+$0xFFFFFFF0]  }
0x118: {  	v18 =	vor.u32 v0, v18;
	v15 =	vor.u32 v0, v15;
	v16 =	vor.u32 v0, v16;
	v23 =	vld [tilespmem:s22+$0x0]  }
0x119: {  	s1 =	sadd.s32 $0x1, s0;
	v17 =	vor.u32 v0, v17;
	v14 =	vor.u32 v0, v14;
	v20 =	vor.u32 v0, v20;
	v24 =	vld [tilespmem:s22+$0x10]  }
0x11a: {  	v25 =	vadd.s32 s0, v3;
	s7 =	sadd.s32 $0x3, s0;
	v26 =	vadd.s32 s1, v3;
	s1 =	sadd.s32 $0x2, s0;
	v27 =	vld [tilespmem:s22+$0x20];
	v13 =	vmul.f32 v13, v11  }
0x11b: {  	v29 =	vadd.s32 s7, v3;
	v28 =	vadd.s32 s1, v3;
	s1 =	sadd.s32 $0x4, s0;
	v21 =	vmul.f32 v21, v11;
	v30 =	vld [tilespmem:s22+$0x30]  }
0x11c: {  	v32 =	vadd.s32 s1, v3;
	s1 =	sadd.s32 $0x5, s0;
	v31 =	vld [tilespmem:s22+$0xFFFFFFD0];
	v22 =	vmul.f32 v22, v11;
	v33 =	vmul.f32 $6.300000000e+01, v13  }
0x11d: {  	v35 =	vadd.s32 s1, v3;
	s1 =	sadd.s32 $0x6, s0;
	v34 =	vmul.f32 $6.300000000e+01, v21;
	v23 =	vmul.f32 v23, v11;
	[tilespmem:v19+s13+$0x0] =	vst.idx.add.s32.msk $0xffff, v7  }
0x11e: {  	v19 =	vmul.f32 v24, v11;
	v24 =	vadd.s32 s1, v3;
	v36 =	vtrunc.f32 v33;
	[tilespmem:v18+s13+$0x0] =	vst.idx.add.s32.msk $0xffff, v7  }
0x11f: {  	v18 =	vmul.f32 v27, v11;
	v27 =	vcvt.f32.s32 v36;
	vm0 =	vgt.f32 v33, v36;
	[tilespmem:v16+s13+$0x0] =	vst.idx.add.s32.msk $0xffff, v7  }
0x120: {  	v16 =	vmul.f32 $6.300000000e+01, v22;
	v30 =	vmul.f32 v30, v11;
	v33 =	vsel vm0, $0x1, v1;
	[tilespmem:v17+s13+$0x0] =	vst.idx.add.s32.msk $0xffff, v7  }
0x121: {  	v17 =	vmul.f32 v31, v11;
	v31 =	vmul.f32 $6.300000000e+01, v23;
	v27 =	vadd.s32 v27, v33;
	[tilespmem:v14+s13+$0x0] =	vst.idx.add.s32.msk $0xffff, v7  }
0x122: {  	v14 =	vmul.f32 $6.300000000e+01, v19;
	[tilespmem:v26+s12+$0x0] =	vst.idx.msk $0xffff, v21;
	v21 =	vmul.f32 $6.300000000e+01, v18;
	vm0 =	vlt.s32 v27, $0x40  }
0x123: {  	s1 =	sadd.s32 $0x7, s0;
	s0 =	smov.u32 s3;
	[tilespmem:v25+s12+$0x0] =	vst.idx.msk $0xffff, v17;
	v17 =	vmul.f32 $6.300000000e+01, v17;
	v25 =	vmul.f32 $6.300000000e+01, v30;
	v26 =	vnsel vm0, $0x40, v27  }
0x124: {  	v27 =	vtrunc.f32 v34;
	[tilespmem:v28+s12+$0x0] =	vst.idx.msk $0xffff, v22;
	v22 =	vadd.s32 s1, v3;
	v26 =	vshll.u32 v26, $0x4  }
0x125: {  	v33 =	vtrunc.f32 v16;
	v28 =	vtrunc.f32 v17;
	v26 =	vor.u32 v0, v26;
	[tilespmem:v15+s13+$0x0] =	vst.idx.add.s32.msk $0xffff, v7  }
0x126: {  	v15 =	vtrunc.f32 v31;
	vm0 =	vgt.f32 v17, v28;
	[tilespmem:v29+s12+$0x0] =	vst.idx.msk $0xffff, v23;
	v17 =	vtrunc.f32 v14  }
0x127: {  	vm1 =	vgt.f32 v34, v27;
	v23 =	vtrunc.f32 v21;
	v29 =	vtrunc.f32 v25;
	[tilespmem:v20+s13+$0x0] =	vst.idx.add.s32.msk $0xffff, v7  }
0x128: {  	vm2 =	vgt.f32 v16, v33;
	v27 =	vcvt.f32.s32 v27;
	v20 =	vcvt.f32.s32 v28;
	[tilespmem:v32+s12+$0x0] =	vst.idx.msk $0xffff, v19  }
0x129: {  	v16 =	vcvt.f32.s32 v33;
	vm3 =	vgt.f32 v31, v15;
	v19 =	vcvt.f32.s32 v15;
	[tilespmem:v22+s12+$0x0] =	vst.idx.msk $0xffff, v13  }
0x12a: {  	vm4 =	vgt.f32 v14, v17;
	v14 =	vcvt.f32.s32 v23;
	v13 =	vcvt.f32.s32 v17;
	[tilespmem:v26+s13+$0x0] =	vst.idx.add.s32.msk $0xffff, v7  }
0x12b: {  	vm5 =	vgt.f32 v21, v23;
	vm6 =	vgt.f32 v25, v29;
	v15 =	vcvt.f32.s32 v29;
	[tilespmem:v35+s12+$0x0] =	vst.idx.msk $0xffff, v18  }
0x12c: {  	v21 =	vsel vm2, $0x1, v1;
	v17 =	vsel vm0, $0x1, v1;
	v18 =	vsel vm1, $0x1, v1;
	[tilespmem:v24+s12+$0x0] =	vst.idx.msk $0xffff, v30  }
0x12d: {  	v23 =	vsel vm4, $0x1, v1;
	v22 =	vsel vm3, $0x1, v1;
	v24 =	vsel vm5, $0x1, v1  }
0x12e: {  	v17 =	vadd.s32 v20, v17;
	v20 =	vsel vm6, $0x1, v1;
	v18 =	vadd.s32 v27, v18  }
0x12f: {  	v16 =	vadd.s32 v16, v21;
	v19 =	vadd.s32 v19, v22;
	v13 =	vadd.s32 v13, v23  }
0x130: {  	vm0 =	vlt.s32 v17, $0x40;
	v20 =	vadd.s32 v15, v20;
	v14 =	vadd.s32 v14, v24  }
.Ltmp4:
0x131: {  	vm2 =	vlt.s32 v16, $0x40;
	vm3 =	vlt.s32 v19, $0x40;
	vm1 =	vlt.s32 v18, $0x40;
	(pc) =	sbr.rel @p0 .LBB2_12-.Ltmp4, $4  }
0x132: {  	vm4 =	vlt.s32 v13, $0x40;
	vm6 =	vlt.s32 v20, $0x40;
	vm5 =	vlt.s32 v14, $0x40  }
0x133: {  	v15 =	vnsel vm2, $0x40, v16;
	v21 =	vnsel vm0, $0x40, v17;
	v18 =	vnsel vm1, $0x40, v18  }
0x134: {  	s22 =	sadd.s32 $0x80, s22;
	v16 =	vnsel vm3, $0x40, v19;
	v17 =	vnsel vm4, $0x40, v13;
	v14 =	vnsel vm5, $0x40, v14  }
0x135: {  	s3 =	sadd.s32 $0x8, s3;
	v19 =	vshll.u32 v21, $0x4;
	v20 =	vnsel vm6, $0x40, v20;
	v18 =	vshll.u32 v18, $0x4;
	v13 =	vld [tilespmem:s22+$0x40]  }
0x136: {  	v21 =	vld [tilespmem:s22+$0xFFFFFFE0]  }
0x137: {  	v22 =	vld [tilespmem:s22+$0xFFFFFFF0]  }
0x138: {  	v23 =	vld [tilespmem:s22+$0x0]  }
0x139: {  	v24 =	vld [tilespmem:s22+$0x10]  }
0x13a: {  	v27 =	vld [tilespmem:s22+$0xFFFFFFD0]  }
0x13b: {  	v15 =	vshll.u32 v15, $0x4;
	v16 =	vshll.u32 v16, $0x4;
	v17 =	vshll.u32 v17, $0x4;
	v28 =	vld [tilespmem:s22+$0x20]  }
0x13c: {  	v19 =	vor.u32 v0, v19;
	v14 =	vshll.u32 v14, $0x4;
	v20 =	vshll.u32 v20, $0x4;
	v31 =	vld [tilespmem:s22+$0x30]  }
0x13d: {  	v18 =	vor.u32 v0, v18;
	v25 =	vadd.s32 s0, v3;
	v15 =	vor.u32 v0, v15  }
0x13e: {  	v16 =	vor.u32 v0, v16;
	v13 =	vmul.f32 v13, v11;
	v21 =	vmul.f32 v21, v11  }
0x13f: {  	v17 =	vor.u32 v0, v17;
	v22 =	vmul.f32 v22, v11;
	v23 =	vmul.f32 v23, v11  }
0x140: {  	v14 =	vor.u32 v0, v14;
	v24 =	vmul.f32 v24, v11;
	v27 =	vmul.f32 v27, v11  }
0x141: {  	s1 =	sadd.s32 $0x1, s0;
	v20 =	vor.u32 v0, v20;
	v28 =	vmul.f32 v28, v11;
	v31 =	vmul.f32 v31, v11  }
0x142: {  	s26 =	sadd.s32 $0x2, s0;
	v26 =	vadd.s32 s1, v3;
	v33 =	vmul.f32 $6.300000000e+01, v13;
	v34 =	vmul.f32 $6.300000000e+01, v21  }
0x143: {  	s3 =	sadd.s32 $0x3, s0;
	v29 =	vadd.s32 s26, v3;
	v55 =	vmul.f32 $6.300000000e+01, v22;
	v56 =	vmul.f32 $6.300000000e+01, v27  }
0x144: {  	s28 =	sadd.s32 $0x4, s0;
	v30 =	vadd.s32 s3, v3;
	v39 =	vmul.f32 $6.300000000e+01, v23;
	v40 =	vmul.f32 $6.300000000e+01, v24  }
0x145: {  	s29 =	sadd.s32 $0x5, s0;
	v32 =	vadd.s32 s28, v3;
	v62 =	vmul.f32 $6.300000000e+01, v28;
	v37 =	vtrunc.f32 v33  }
0x146: {  	s30 =	sadd.s32 $0x6, s0;
	v35 =	vadd.s32 s29, v3;
	v46 =	vmul.f32 $6.300000000e+01, v31;
	v38 =	vcvt.f32.s32 v37  }
0x147: {  	s31 =	sadd.s32 $0x7, s0;
	v36 =	vadd.s32 s30, v3;
	v41 =	vtrunc.f32 v34;
	v42 =	vtrunc.f32 v56  }
0x148: {  	v50 =	vadd.s32 s31, v3;
	v57 =	vtrunc.f32 v55;
	v61 =	vtrunc.f32 v39  }
0x149: {  	vm0 =	vgt.f32 v33, v37;
	v44 =	vtrunc.f32 v40;
	v49 =	vtrunc.f32 v62  }
0x14a: {  	v53 =	vtrunc.f32 v46;
	v37 =	vsel vm0, $0x1, v1;
	vm7 =	vgt.f32 v56, v42  }
0x14b: {  	v42 =	vcvt.f32.s32 v42;
	vm1 =	vgt.f32 v34, v41;
	v58 =	vcvt.f32.s32 v41  }
0x14c: {  	vm8 =	vgt.f32 v55, v57;
	vm9 =	vgt.f32 v39, v61;
	v45 =	vcvt.f32.s32 v61  }
0x14d: {  	[tilespmem:v26+s12+$0x0] =	vst.idx.msk $0xffff, v21;
	vm10 =	vgt.f32 v40, v44;
	v26 =	vcvt.f32.s32 v44;
	vm11 =	vgt.f32 v62, v49  }
0x14e: {  	[tilespmem:v19+s13+$0x0] =	vst.idx.add.s32.msk $0xffff, v7;
	v54 =	vcvt.f32.s32 v49;
	vm12 =	vgt.f32 v46, v53;
	v55 =	vcvt.f32.s32 v53  }
0x14f: {  	[tilespmem:v18+s13+$0x0] =	vst.idx.add.s32.msk $0xffff, v7;
	v37 =	vadd.s32 v38, v37;
	v59 =	vsel vm7, $0x1, v1;
	v60 =	vsel vm1, $0x1, v1  }
0x150: {  	[tilespmem:v16+s13+$0x0] =	vst.idx.add.s32.msk $0xffff, v7;
	v38 =	vcvt.f32.s32 v57;
	v63 =	vsel vm8, $0x1, v1;
	v47 =	vsel vm9, $0x1, v1  }
0x151: {  	[tilespmem:v17+s13+$0x0] =	vst.idx.add.s32.msk $0xffff, v7;
	v51 =	vsel vm10, $0x1, v1;
	v56 =	vsel vm11, $0x1, v1;
	v57 =	vsel vm12, $0x1, v1  }
0x152: {  	[tilespmem:v14+s13+$0x0] =	vst.idx.add.s32.msk $0xffff, v7;
	vm6 =	vlt.s32 v37, $0x40;
	v41 =	vadd.s32 v42, v59;
	v33 =	vadd.s32 v58, v60  }
0x153: {  	v48 =	vadd.s32 v45, v47;
	v26 =	vadd.s32 v26, v51;
	v16 =	vadd.s32 v54, v56  }
0x154: {  	[tilespmem:v15+s13+$0x0] =	vst.idx.add.s32.msk $0xffff, v7;
	v58 =	vadd.s32 v55, v57;
	v37 =	vnsel vm6, $0x40, v37;
	v43 =	vadd.s32 v38, v63  }
0x155: {  	[tilespmem:v20+s13+$0x0] =	vst.idx.add.s32.msk $0xffff, v7;
	vm13 =	vlt.s32 v41, $0x40;
	vm14 =	vlt.s32 v33, $0x40;
	vm3 =	vlt.s32 v48, $0x40  }
0x156: {  	[tilespmem:v50+s12+$0x0] =	vst.idx.msk $0xffff, v13;
	vm4 =	vlt.s32 v26, $0x40;
	vm5 =	vlt.s32 v16, $0x40;
	vm15 =	vlt.s32 v58, $0x40  }
0x157: {  	[tilespmem:v25+s12+$0x0] =	vst.idx.msk $0xffff, v27;
	v52 =	vshll.u32 v37, $0x4;
	vm2 =	vlt.s32 v43, $0x40;
	v15 =	vnsel vm13, $0x40, v41  }
0x158: {  	[tilespmem:v29+s12+$0x0] =	vst.idx.msk $0xffff, v22;
	v59 =	vnsel vm14, $0x40, v33;
	v14 =	vor.u32 v0, v52;
	v15 =	vshll.u32 v15, $0x4  }
0x159: {  	[tilespmem:v30+s12+$0x0] =	vst.idx.msk $0xffff, v23;
	v19 =	vnsel vm3, $0x40, v48;
	v20 =	vshll.u32 v59, $0x4;
	v15 =	vor.u32 v0, v15  }
0x15a: {  	[tilespmem:v32+s12+$0x0] =	vst.idx.msk $0xffff, v24;
	v13 =	vnsel vm4, $0x40, v26;
	v60 =	vshll.u32 v19, $0x4;
	v61 =	vor.u32 v0, v20  }
0x15b: {  	[tilespmem:v35+s12+$0x0] =	vst.idx.msk $0xffff, v28;
	v13 =	vshll.u32 v13, $0x4;
	v63 =	vnsel vm2, $0x40, v43;
	v62 =	vor.u32 v0, v60  }
0x15c: {  	[tilespmem:v36+s12+$0x0] =	vst.idx.msk $0xffff, v31;
	v17 =	vnsel vm15, $0x40, v58;
	v13 =	vor.u32 v0, v13;
	v18 =	vshll.u32 v63, $0x4  }
0x15d: {  	v17 =	vshll.u32 v17, $0x4;
	v18 =	vor.u32 v0, v18;
	[tilespmem:v14+s13+$0x0] =	vst.idx.add.s32.msk $0xffff, v7;
	v14 =	vnsel vm5, $0x40, v16  }
0x15e: {  	v14 =	vshll.u32 v14, $0x4;
	[tilespmem:v15+s13+$0x0] =	vst.idx.add.s32.msk $0xffff, v7;
	v15 =	vor.u32 v0, v17  }
0x15f: {  	[tilespmem:v61+s13+$0x0] =	vst.idx.add.s32.msk $0xffff, v7;
	v14 =	vor.u32 v0, v14  }
0x160: {  	[tilespmem:v62+s13+$0x0] =	vst.idx.add.s32.msk $0xffff, v7  }
0x161: {  	[tilespmem:v13+s13+$0x0] =	vst.idx.add.s32.msk $0xffff, v7  }
0x162: {  	[tilespmem:v18+s13+$0x0] =	vst.idx.add.s32.msk $0xffff, v7  }
0x163: {  	[tilespmem:v15+s13+$0x0] =	vst.idx.add.s32.msk $0xffff, v7  }
0x164: {  	s0 =	simm.s32 $0x39;
	s3 =	simm.s32 $0x8510;
	[tilespmem:v14+s13+$0x0] =	vst.idx.add.s32.msk $0xffff, v7  }
.LBB2_14:
0x165: {  	v13 =	vld [tilespmem:s3+$0x0];
	_ =	sdelay $0x4  }
0x166: {  	v13 =	vmul.f32 v13, v11;
	_ =	sdelay $0x1  }
0x167: {  	v14 =	vmul.f32 $6.300000000e+01, v13;
	_ =	sdelay $0x1  }
0x168: {  	v15 =	vtrunc.f32 v14  }
0x169: {  	vm0 =	vgt.f32 v14, v15;
	v14 =	vcvt.f32.s32 v15  }
0x16a: {  	v15 =	vsel vm0, $0x1, v1  }
0x16b: {  	v14 =	vadd.s32 v14, v15  }
0x16c: {  	vm15 =	vlt.s32 v14, $0x40  }
0x16d: {  	v14 =	vnsel vm15, $0x40, v14  }
0x16e: {  	v15 =	vadd.s32 s0, v3;
	v14 =	vshll.u32 v14, $0x4  }
0x16f: {  	p0 =	seq.s32 s0, $0x3E;
	v14 =	vor.u32 v0, v14  }
.Ltmp5:
0x170: {  	_ = 	snop;
	(pc) =	sbr.rel @!p0 .LBB2_14-.Ltmp5, $3  }
0x171: {  	_ =	sdelay $0x1  }
0x172: {  	[tilespmem:v15+s12+$0x0] =	vst.idx.msk $0xffff, v13  }
0x173: {  	s3 =	sadd.s32 $0x10, s3;
	s0 =	sadd.s32 $0x1, s0;
	[tilespmem:v14+s13+$0x0] =	vst.idx.add.s32.msk $0xffff, v7  }
0x174: {  	v6 =	vld [tilespmem:$0x1FFE0];
	_ =	sdelay $0x2  }
0x175: {  	s0 =	smul.u32 $0x810, s21;
	_ =	sdelay $0x1  }
0x176: {  	s25 =	simm.s32 $0x8A20;
	v11 =	vadd.s32 s0, v6;
	v6 =	vld [tilespmem:$0x1FFF0]  }
0x177: {  	v14 =	vld [tilespmem:s25+$0xFFFFFFE0]  }
0x178: {  	v15 =	vld [tilespmem:s25+$0xFFFFFFF0]  }
0x179: {  	v16 =	vld [tilespmem:s25+$0x0];
	_ =	sdelay $0x1  }
0x17a: {  	v17 =	vld [tilespmem:s25+$0x10];
	v13 =	vadd.s32 v6, v12;
	v12 =	vimm.s32 $0x0  }
0x17b: {  	v14 =	vadd.s32 v12, v14  }
0x17c: {  	v22 =	vadd.s32 v14, v15;
	v18 =	vadd.s32 $0x1, v14  }
0x17d: {  	v15 =	vadd.s32 v3, v14;
	v16 =	vadd.s32 v22, v16;
	vm14 =	vlt.s32 v18, $0x3E  }
0x17e: {  	v39 =	vadd.s32 v10, v22;
	v42 =	vadd.s32 v13, v22;
	v20 =	vadd.s32 $0x1, v16  }
0x17f: {  	v17 =	vadd.s32 v16, v17;
	v28 =	vnsel vm14, $0x3E, v18;
	vm0 =	vlt.s32 v20, $0x3E  }
0x180: {  	v21 =	vadd.s32 $0x1, v17;
	v30 =	vadd.s32 v3, v28;
	v23 =	vnsel vm0, $0x3E, v20  }
0x181: {  	[tilespmem:s25+$0xFFFFFFE0] =	vst v12;
	v19 =	vadd.s32 $0x1, v22;
	vm13 =	vlt.s32 v21, $0x3E;
	v24 =	vadd.s32 v3, v23  }
0x182: {  	[tilespmem:s25+$0xFFFFFFF0] =	vst v12;
	vm1 =	vlt.s32 v19, $0x3E;
	v25 =	vnsel vm13, $0x3E, v21;
	v31 =	vld.idx.msk [tilespmem:v15+s12+$0x0], $0xffff;
	v15 =	vadd.s32 v3, v17  }
0x183: {  	v26 =	vnsel vm1, $0x3E, v19;
	v27 =	vadd.s32 v3, v25;
	v50 =	vld.idx.msk [tilespmem:v39+s10+$0x0], $0xffff  }
0x184: {  	v32 =	vadd.s32 v3, v16;
	v29 =	vadd.s32 v3, v26;
	v49 =	vadd.s32 v26, v13;
	v26 =	vld.idx.msk [tilespmem:v42+s10+$0x0], $0xffff  }
0x185: {  	[tilespmem:s25+$0x0] =	vst v12;
	v36 =	vadd.s32 v10, v16;
	v30 =	vld.idx.msk [tilespmem:v30+s12+$0x0], $0xffff  }
0x186: {  	[tilespmem:s25+$0x10] =	vst v12;
	v33 =	vld.idx.msk [tilespmem:v24+s12+$0x0], $0xffff  }
0x187: {  	v24 =	vadd.s32 v3, v22;
	v37 =	vld.idx.msk [tilespmem:v15+s12+$0x0], $0xffff  }
0x188: {  	v34 =	vadd.s32 v10, v17;
	v27 =	vld.idx.msk [tilespmem:v27+s12+$0x0], $0xffff  }
0x189: {  	v28 =	vadd.s32 v28, v13;
	v32 =	vld.idx.msk [tilespmem:v32+s12+$0x0], $0xffff  }
0x18a: {  	v35 =	vadd.s32 v13, v17;
	v48 =	vld.idx.msk [tilespmem:v36+s10+$0x0], $0xffff  }
0x18b: {  	v29 =	vld.idx.msk [tilespmem:v29+s12+$0x0], $0xffff  }
0x18c: {  	v41 =	vadd.s32 v10, v14;
	v25 =	vadd.s32 v25, v13;
	v30 =	vsub.f32 v30, v31;
	v40 =	vld.idx.msk [tilespmem:v24+s12+$0x0], $0xffff  }
0x18d: {  	v43 =	vadd.s32 v13, v14;
	vm2 =	vgt.s32 v22, $0x3D;
	v34 =	vld.idx.msk [tilespmem:v34+s10+$0x0], $0xffff;
	v27 =	vsub.f32 v27, v37  }
0x18e: {  	v38 =	vadd.s32 v13, v16;
	v28 =	vld.idx.msk [tilespmem:v28+s10+$0x0], $0xffff;
	vm15 =	vlt.f32 v30, $9.999999740e-06;
	v33 =	vsub.f32 v33, v32  }
0x18f: {  	v23 =	vadd.s32 v23, v13;
	v15 =	vld.idx.msk [tilespmem:v35+s10+$0x0], $0xffff;
	v30 =	vsel vm15, $0x3F800000, v30;
	vm4 =	vlt.f32 v27, $9.999999740e-06  }
0x190: {  	s23 =	simm.s32 $0x3;
	v22 =	vld.idx.msk [tilespmem:v49+s10+$0x0], $0xffff;
	vm5 =	vlt.f32 v33, $9.999999740e-06;
	(erf) = vrcp.f32 v30;
	v27 =	vsel vm4, $0x3F800000, v27  }
0x191: {  	s22 =	simm.s32 $0x0;
	s1 =	scvt.s32.f32 s23;
	v25 =	vld.idx.msk [tilespmem:v25+s10+$0x0], $0xffff;
	v33 =	vsel vm5, $0x3F800000, v33;
	v29 =	vsub.f32 v29, v40;
	(erf) = vrcp.f32 v27  }
0x192: {  	s26 =	scvt.s32.f32 s22;
	v30 =	vld.idx.msk [tilespmem:v41+s10+$0x0], $0xffff;
	(erf) = vrcp.f32 v33  }
0x193: {  	s24 =	simm.s32 $0x2;
	s1 =	smul.f32 $1.587301680e-02, s1;
	v27 =	vld.idx.msk [tilespmem:v43+s10+$0x0], $0xffff;
	vm6 =	vlt.f32 v29, $9.999999740e-06  }
0x194: {  	s3 =	scvt.s32.f32 s24;
	s0 =	smul.f32 $1.587301680e-02, s26;
	vm8 =	vgt.s32 v14, $0x3D;
	v24 =	vld.idx.msk [tilespmem:v38+s10+$0x0], $0xffff;
	v29 =	vsel vm6, $0x3F800000, v29  }
0x195: {  	vm3 =	vgt.s32 v16, $0x3D;
	vm7 =	vgt.s32 v17, $0x3D;
	v14 =	vld.idx.msk [tilespmem:v23+s10+$0x0], $0xffff;
	(erf) = vrcp.f32 v29  }
0x196: {  	s3 =	smul.f32 $1.587301680e-02, s3;
	v16 =	vsub.f32 s0, v31;
	v54 =	vsel vm2, v50, v26;
	v23 =	vsub.f32 s1, v37  }
0x197: {  	v31 =	vsel vm7, v34, v15;
	v52 =	vadd.f32 v15, v34;
	v22 =	vadd.f32 v22, v54  }
0x198: {  	s25 =	simm.s32 $0x1;
	v25 =	vadd.f32 v25, v31;
	v29 =	vsub.f32 s3, v32;
	s3 =	simm.s32 $0x8A60;
	v55 =	vsel vm8, v30, v27  }
0x199: {  	s7 =	scvt.s32.f32 s25;
	v51 =	vsel vm3, v48, v24;
	v39 =	vadd.f32 v27, v30;
	v31 =	vld [tilespmem:s3+$0xFFFFFFE0];
	v30 =	vpop (erf);
	v28 =	vadd.f32 v28, v55  }
0x19a: {  	v35 =	vadd.f32 v24, v48;
	v14 =	vadd.f32 v14, v51;
	v16 =	vmul.f32 v30, v16;
	v30 =	vpop (erf)  }
0x19b: {  	s2 =	smul.f32 $1.587301680e-02, s7;
	v37 =	vadd.f32 v26, v50;
	v28 =	vsub.f32 v28, v39;
	v23 =	vmul.f32 v30, v23;
	v30 =	vpop (erf)  }
0x19c: {  	v25 =	vsub.f32 v25, v52;
	v14 =	vsub.f32 v14, v35;
	v56 =	vld [tilespmem:s3+$0xFFFFFFF0];
	v29 =	vmul.f32 v30, v29  }
0x19d: {  	v36 =	vsub.f32 v22, v37;
	v53 =	vsub.f32 s2, v40;
	v57 =	vld [tilespmem:s3+$0x0];
	v16 =	vmul.f32 v16, v28  }
0x19e: {  	v17 =	vadd.s32 v17, v31;
	v23 =	vmul.f32 v23, v25;
	v22 =	vpop (erf);
	v25 =	vmul.f32 v29, v14  }
0x19f: {  	v59 =	vadd.s32 v3, v17;
	v54 =	vadd.s32 v10, v17;
	v30 =	vmul.f32 v22, v53  }
0x1a0: {  	vm0 =	vgt.s32 v17, $0x3D;
	v29 =	vadd.f32 v23, v52;
	v33 =	vadd.f32 v25, v35  }
0x1a1: {  	v58 =	vld [tilespmem:s3+$0x10];
	v28 =	vmul.f32 v30, v36;
	v30 =	vadd.s32 $0x1, v17;
	v36 =	vadd.s32 v17, v56  }
0x1a2: {  	vm9 =	vlt.s32 v30, $0x3E;
	v31 =	vadd.s32 $0x1, v36;
	v38 =	vadd.s32 v36, v57  }
0x1a3: {  	v48 =	vadd.s32 v3, v36;
	v55 =	vadd.s32 v10, v36;
	v56 =	vadd.s32 v13, v36  }
0x1a4: {  	v57 =	vadd.s32 v13, v17;
	vm13 =	vgt.s32 v36, $0x3D;
	v36 =	vmul.f32 $5.000000000e-01, v29  }
0x1a5: {  	v29 =	vadd.f32 v16, v39;
	vm10 =	vlt.s32 v31, $0x3E;
	v25 =	vadd.s32 $0x1, v38  }
0x1a6: {  	v23 =	vadd.s32 v38, v58;
	v62 =	vnsel vm9, $0x3E, v30;
	v49 =	vadd.s32 v3, v38  }
0x1a7: {  	v17 =	vadd.f32 v28, v37;
	v34 =	vnsel vm10, $0x3E, v31;
	vm11 =	vlt.s32 v25, $0x3E  }
0x1a8: {  	[tilespmem:s3+$0xFFFFFFE0] =	vst v12;
	v32 =	vadd.s32 $0x1, v23;
	v45 =	vadd.s32 v3, v62;
	v46 =	vadd.s32 v3, v23  }
0x1a9: {  	[tilespmem:s3+$0xFFFFFFF0] =	vst v12;
	v35 =	vld.idx.msk [tilespmem:v59+s12+$0x0], $0xffff;
	vm12 =	vlt.s32 v32, $0x3E;
	v60 =	vadd.s32 v3, v34;
	v58 =	vadd.s32 v34, v13  }
0x1aa: {  	v34 =	vmul.f32 $5.000000000e-01, v17;
	v17 =	vmul.f32 $5.000000000e-01, v29;
	v44 =	vnsel vm12, $0x3E, v32;
	v29 =	vld.idx.msk [tilespmem:v48+s12+$0x0], $0xffff  }
0x1ab: {  	v6 =	vadd.s32 s25, v11;
	[tilespmem:s3+$0x0] =	vst v12;
	v63 =	vnsel vm11, $0x3E, v25;
	v47 =	vadd.s32 v3, v44;
	v55 =	vld.idx.msk [tilespmem:v55+s10+$0x0], $0xffff  }
0x1ac: {  	s26 =	simm.s32 $0x4;
	v22 =	vadd.s32 s22, v11;
	v33 =	vmul.f32 $5.000000000e-01, v33;
	v61 =	vadd.s32 v3, v63;
	v49 =	vld.idx.msk [tilespmem:v49+s12+$0x0], $0xffff  }
0x1ad: {  	s7 =	scvt.s32.f32 s26;
	[tilespmem:s3+$0x10] =	vst v12;
	v16 =	vadd.s32 s24, v11;
	v51 =	vadd.s32 v10, v38;
	v50 =	vadd.s32 v10, v23;
	v28 =	vld.idx.msk [tilespmem:v45+s12+$0x0], $0xffff  }
0x1ae: {  	v52 =	vadd.s32 v13, v38;
	v53 =	vadd.s32 v13, v23;
	v41 =	vadd.s32 v63, v13;
	v63 =	vld.idx.msk [tilespmem:v46+s12+$0x0], $0xffff  }
0x1af: {  	s1 =	smul.f32 $1.587301680e-02, s7;
	vm14 =	vgt.s32 v38, $0x3D;
	v40 =	vadd.s32 v62, v13;
	vm4 =	vle.f32 v15, v36;
	v62 =	vld.idx.msk [tilespmem:v60+s12+$0x0], $0xffff  }
0x1b0: {  	vm2 =	vgt.s32 v23, $0x3D;
	vm5 =	vle.f32 v24, v33;
	v24 =	vsel vm4, $0x1, v1;
	v47 =	vld.idx.msk [tilespmem:v47+s12+$0x0], $0xffff  }
0x1b1: {  	v15 =	vadd.s32 s23, v11;
	v42 =	vsub.f32 s1, v35;
	v21 =	vadd.s32 v24, v21;
	v43 =	vld.idx.msk [tilespmem:v61+s12+$0x0], $0xffff  }
0x1b2: {  	s3 =	simm.s32 $0x6;
	v44 =	vadd.s32 v44, v13;
	vm15 =	vle.f32 v26, v34;
	v26 =	vsel vm5, $0x1, v1;
	v24 =	vld.idx.msk [tilespmem:v50+s10+$0x0], $0xffff  }
0x1b3: {  	s2 =	scvt.s32.f32 s3;
	vm8 =	vle.f32 v27, v17;
	v27 =	vsel vm15, $0x1, v1;
	v20 =	vadd.s32 v26, v20;
	v45 =	vld.idx.msk [tilespmem:v53+s10+$0x0], $0xffff  }
0x1b4: {  	v19 =	vadd.s32 v27, v19;
	v27 =	vld.idx.msk [tilespmem:v51+s10+$0x0], $0xffff;
	v26 =	vsub.f32 v28, v35;
	v28 =	vsel vm8, $0x1, v1  }
0x1b5: {  	s7 =	smul.f32 $1.587301680e-02, s2;
	v59 =	vshll.u32 v21, $0x4;
	v46 =	vld.idx.msk [tilespmem:v52+s10+$0x0], $0xffff;
	v28 =	vadd.s32 v28, v18;
	v53 =	vsub.f32 v47, v63  }
0x1b6: {  	s0 =	simm.s32 $0x7;
	v61 =	vld.idx.msk [tilespmem:v40+s10+$0x0], $0xffff;
	v38 =	vsub.f32 v62, v29;
	vm9 =	vlt.f32 v26, $9.999999740e-06;
	v18 =	vsub.f32 v43, v49  }
0x1b7: {  	s17 =	scvt.s32.f32 s0;
	v43 =	vsub.f32 s7, v49;
	v49 =	vld.idx.msk [tilespmem:v58+s10+$0x0], $0xffff;
	v26 =	vsel vm9, $0x3F800000, v26;
	vm10 =	vlt.f32 v53, $9.999999740e-06  }
0x1b8: {  	s28 =	simm.s32 $0x5;
	v47 =	vld.idx.msk [tilespmem:v56+s10+$0x0], $0xffff;
	vm11 =	vlt.f32 v18, $9.999999740e-06;
	(erf) = vrcp.f32 v26;
	v35 =	vsel vm10, $0x3F800000, v53  }
0x1b9: {  	s1 =	smul.f32 $1.587301680e-02, s17;
	s17 =	scvt.s32.f32 s28;
	vm12 =	vlt.f32 v38, $9.999999740e-06;
	v26 =	vld.idx.msk [tilespmem:v54+s10+$0x0], $0xffff;
	v18 =	vsel vm11, $0x3F800000, v18;
	(erf) = vrcp.f32 v35  }
0x1ba: {  	v39 =	vadd.s32 v20, v16;
	v38 =	vsel vm12, $0x3F800000, v38;
	v35 =	vld.idx.msk [tilespmem:v57+s10+$0x0], $0xffff;
	(erf) = vrcp.f32 v18  }
0x1bb: {  	v60 =	vshll.u32 v20, $0x4;
	v37 =	vsub.f32 s1, v63;
	s1 =	smul.f32 $1.587301680e-02, s17;
	v18 =	vld.idx.msk [tilespmem:v44+s10+$0x0], $0xffff;
	(erf) = vrcp.f32 v38  }
0x1bc: {  	v40 =	vadd.s32 v21, v15;
	v48 =	vsel vm2, v24, v45;
	v24 =	vadd.f32 v45, v24;
	v38 =	vld.idx.msk [tilespmem:v41+s10+$0x0], $0xffff  }
0x1bd: {  	v29 =	vsub.f32 s1, v29;
	v62 =	vshll.u32 v28, $0x4;
	v50 =	vsel vm13, v55, v47  }
0x1be: {  	v63 =	vshll.u32 v19, $0x4;
	v51 =	vadd.f32 v47, v55;
	v20 =	vadd.f32 v49, v50  }
0x1bf: {  	v56 =	vor.u32 v0, v60;
	v44 =	vsel vm14, v27, v46;
	v27 =	vadd.f32 v46, v27  }
0x1c0: {  	s1 =	simm.s32 $0x8AA0;
	v41 =	vor.u32 v0, v59;
	v60 =	vsub.f32 v20, v51;
	v55 =	vadd.f32 v35, v26  }
0x1c1: {  	v54 =	vsel vm0, v26, v35;
	v18 =	vadd.f32 v18, v48;
	v26 =	vpop (erf);
	v21 =	vadd.f32 v38, v44;
	v44 =	vld [tilespmem:s1+$0xFFFFFFE0]  }
0x1c2: {  	v48 =	vor.u32 v0, v63;
	v57 =	vadd.f32 v61, v54;
	v38 =	vor.u32 v0, v62;
	v53 =	vpop (erf)  }
0x1c3: {  	v59 =	vld [tilespmem:s1+$0xFFFFFFF0];
	v26 =	vmul.f32 v26, v42;
	v18 =	vsub.f32 v18, v24;
	v37 =	vmul.f32 v53, v37;
	v58 =	vpop (erf)  }
0x1c4: {  	[tilespmem:$0x1FFD0] =	vst v6;
	v42 =	vadd.s32 v19, v6;
	v21 =	vsub.f32 v21, v27;
	v20 =	vmul.f32 v58, v43;
	v61 =	vpop (erf)  }
0x1c5: {  	v62 =	vld [tilespmem:s1+$0x0];
	v19 =	vsub.f32 v57, v55;
	v29 =	vmul.f32 v61, v29;
	v37 =	vmul.f32 v37, v18  }
0x1c6: {  	v63 =	vld [tilespmem:s1+$0x10];
	v18 =	vadd.s32 s26, v11;
	v44 =	vadd.s32 v23, v44;
	v21 =	vmul.f32 v20, v21  }
0x1c7: {  	v20 =	vadd.s32 v28, v22;
	v28 =	vmul.f32 v26, v19;
	v19 =	vadd.s32 $0x1, v44  }
0x1c8: {  	v49 =	vadd.s32 v3, v44;
	v50 =	vadd.s32 v44, v59;
	vm0 =	vgt.s32 v44, $0x3D  }
0x1c9: {  	v29 =	vmul.f32 v29, v60;
	v37 =	vadd.f32 v37, v24;
	vm13 =	vlt.s32 v19, $0x3E  }
0x1ca: {  	v52 =	vadd.s32 v50, v62;
	v27 =	vadd.f32 v21, v27;
	v21 =	vadd.s32 $0x1, v50  }
0x1cb: {  	[tilespmem:v41+s14+$0x0] =	vst.idx.add.s32.msk $0xffff, v7;
	v22 =	vadd.s32 $0x1, v52;
	v26 =	vadd.s32 v52, v63;
	v41 =	vnsel vm13, $0x3E, v19  }
0x1cc: {  	v62 =	vadd.s32 v3, v52;
	vm14 =	vlt.s32 v21, $0x3E;
	vm15 =	vlt.s32 v22, $0x3E  }
0x1cd: {  	v23 =	vadd.s32 $0x1, v26;
	v58 =	vadd.s32 v3, v41;
	v59 =	vadd.s32 v3, v26  }
0x1ce: {  	[tilespmem:v56+s14+$0x0] =	vst.idx.add.s32.msk $0xffff, v7;
	v51 =	vadd.f32 v29, v51;
	v29 =	vmul.f32 $5.000000000e-01, v37;
	v37 =	vadd.f32 v28, v55  }
0x1cf: {  	[tilespmem:s1+$0xFFFFFFE0] =	vst v12;
	v43 =	vnsel vm14, $0x3E, v21;
	v53 =	vnsel vm15, $0x3E, v22;
	vm4 =	vlt.s32 v23, $0x3E  }
0x1d0: {  	[tilespmem:v48+s14+$0x0] =	vst.idx.add.s32.msk $0xffff, v7;
	v28 =	vmul.f32 $5.000000000e-01, v27;
	v54 =	vadd.s32 v3, v43;
	v56 =	vadd.s32 v3, v53  }
0x1d1: {  	[tilespmem:s1+$0x0] =	vst v12;
	v57 =	vnsel vm4, $0x3E, v23;
	v49 =	vld.idx.msk [tilespmem:v49+s12+$0x0], $0xffff;
	v27 =	vmul.f32 $5.000000000e-01, v51;
	vm5 =	vle.f32 v45, v29  }
0x1d2: {  	v45 =	vadd.s32 v10, v44;
	v9 =	vadd.s32 v43, v13;
	vm6 =	vle.f32 v46, v28;
	v43 =	vld.idx.msk [tilespmem:v62+s12+$0x0], $0xffff  }
0x1d3: {  	[tilespmem:s1+$0x10] =	vst v12;
	v60 =	vadd.s32 v3, v57;
	vm7 =	vle.f32 v47, v27;
	v47 =	vsel vm6, $0x1, v1;
	v51 =	vld.idx.msk [tilespmem:v58+s12+$0x0], $0xffff  }
0x1d4: {  	v24 =	vadd.s32 s28, v11;
	v44 =	vadd.s32 v13, v44;
	v8 =	vadd.s32 v47, v25;
	v47 =	vld.idx.msk [tilespmem:v59+s12+$0x0], $0xffff  }
0x1d5: {  	[tilespmem:s1+$0xFFFFFFF0] =	vst v12;
	v61 =	vadd.s32 v3, v50;
	vm11 =	vgt.s32 v50, $0x3D;
	v6 =	vadd.s32 v10, v52;
	v56 =	vld.idx.msk [tilespmem:v56+s12+$0x0], $0xffff  }
0x1d6: {  	v48 =	vadd.s32 v13, v52;
	vm13 =	vgt.s32 v52, $0x3D;
	v63 =	vadd.s32 v10, v26;
	v54 =	vld.idx.msk [tilespmem:v54+s12+$0x0], $0xffff  }
0x1d7: {  	s28 =	simm.s32 $0x8;
	v55 =	vadd.s32 v13, v26;
	vm8 =	vgt.s32 v26, $0x3D;
	v53 =	vadd.s32 v53, v13;
	v45 =	vld.idx.msk [tilespmem:v45+s10+$0x0], $0xffff  }
0x1d8: {  	s2 =	scvt.s32.f32 s28;
	v46 =	vsel vm5, $0x1, v1;
	v57 =	vadd.s32 v57, v13;
	v25 =	vmul.f32 $5.000000000e-01, v37;
	v58 =	vld.idx.msk [tilespmem:v60+s12+$0x0], $0xffff  }
0x1d9: {  	s29 =	simm.s32 $0xA;
	[tilespmem:v39+s15+$0x0] =	vst.idx.msk $0xffff, v33;
	v62 =	vadd.s32 s3, v11;
	v59 =	vadd.s32 v41, v13;
	v37 =	vsel vm7, $0x1, v1;
	v33 =	vld.idx.msk [tilespmem:v44+s10+$0x0], $0xffff  }
0x1da: {  	s17 =	scvt.s32.f32 s29;
	s1 =	smul.f32 $1.587301680e-02, s2;
	v37 =	vadd.s32 v37, v31;
	vm9 =	vle.f32 v35, v25;
	v41 =	vsub.f32 v51, v49;
	v51 =	vld.idx.msk [tilespmem:v61+s12+$0x0], $0xffff  }
0x1db: {  	[tilespmem:v38+s14+$0x0] =	vst.idx.add.s32.msk $0xffff, v7;
	v60 =	vadd.s32 v46, v32;
	v32 =	vadd.s32 v10, v50;
	v31 =	vsel vm9, $0x1, v1  }
0x1dc: {  	s2 =	smul.f32 $1.587301680e-02, s17;
	v46 =	vadd.s32 v13, v50;
	v35 =	vadd.s32 v31, v30;
	v30 =	vld.idx.msk [tilespmem:v55+s10+$0x0], $0xffff;
	v49 =	vsub.f32 s1, v49  }
0x1dd: {  	s30 =	simm.s32 $0xB;
	v31 =	vld.idx.msk [tilespmem:v48+s10+$0x0], $0xffff;
	v55 =	vadd.s32 s0, v11;
	v48 =	vsub.f32 v56, v43;
	v58 =	vsub.f32 v58, v47  }
0x1de: {  	s7 =	scvt.s32.f32 s30;
	v6 =	vld.idx.msk [tilespmem:v6+s10+$0x0], $0xffff;
	vm10 =	vlt.f32 v41, $9.999999740e-06;
	v43 =	vsub.f32 s2, v43;
	v38 =	vadd.f32 v33, v45  }
0x1df: {  	v61 =	vld.idx.msk [tilespmem:v63+s10+$0x0], $0xffff;
	v50 =	vsel vm10, $0x3F800000, v41;
	vm12 =	vlt.f32 v58, $9.999999740e-06;
	v63 =	vsub.f32 v54, v51  }
0x1e0: {  	s3 =	simm.s32 $0x9;
	s1 =	smul.f32 $1.587301680e-02, s7;
	v56 =	vld.idx.msk [tilespmem:v32+s10+$0x0], $0xffff;
	(erf) = vrcp.f32 v50;
	vm14 =	vlt.f32 v48, $9.999999740e-06;
	v52 =	vsel vm12, $0x3F800000, v58  }
0x1e1: {  	[tilespmem:v40+s15+$0x0] =	vst.idx.msk $0xffff, v36;
	s17 =	scvt.s32.f32 s3;
	v32 =	vld.idx.msk [tilespmem:v46+s10+$0x0], $0xffff;
	v54 =	vsel vm14, $0x3F800000, v48;
	vm15 =	vlt.f32 v63, $9.999999740e-06;
	(erf) = vrcp.f32 v52  }
0x1e2: {  	[tilespmem:v42+s15+$0x0] =	vst.idx.msk $0xffff, v34;
	v41 =	vsub.f32 s1, v47;
	v58 =	vsel vm15, $0x3F800000, v63;
	(erf) = vrcp.f32 v54  }
0x1e3: {  	s0 =	smul.f32 $1.587301680e-02, s17;
	v42 =	vadd.f32 v31, v6;
	v50 =	vsel vm0, v45, v33;
	v52 =	vld.idx.msk [tilespmem:v57+s10+$0x0], $0xffff;
	(erf) = vrcp.f32 v58  }
0x1e4: {  	v48 =	vsel vm8, v61, v30;
	v40 =	vadd.f32 v30, v61;
	v61 =	vshll.u32 v37, $0x4;
	v63 =	vld.idx.msk [tilespmem:v53+s10+$0x0], $0xffff  }
0x1e5: {  	v9 =	vld.idx.msk [tilespmem:v9+s10+$0x0], $0xffff;
	v45 =	vadd.s32 v8, v62;
	v47 =	vsub.f32 s0, v51;
	v39 =	vor.u32 v0, v61  }
0x1e6: {  	v51 =	vld.idx.msk [tilespmem:v59+s10+$0x0], $0xffff;
	v54 =	vsel vm13, v6, v31;
	v6 =	vshll.u32 v60, $0x4;
	v57 =	vsel vm11, v56, v32  }
0x1e7: {  	v36 =	vadd.f32 v32, v56;
	v56 =	vshll.u32 v8, $0x4;
	v58 =	vshll.u32 v35, $0x4  }
0x1e8: {  	v46 =	vor.u32 v0, v6;
	v44 =	vor.u32 v0, v56;
	v6 =	vadd.f32 v52, v48  }
0x1e9: {  	v34 =	vor.u32 v0, v58;
	v48 =	vadd.s32 v60, v55;
	v53 =	vadd.f32 v63, v54;
	v63 =	vpop (erf)  }
0x1ea: {  	s31 =	simm.s32 $0xC;
	s0 =	simm.s32 $0x8AE0;
	v54 =	vadd.f32 v9, v57;
	v49 =	vmul.f32 v63, v49;
	v52 =	vsub.f32 v6, v40;
	v55 =	vpop (erf)  }
.LBB2_16:
0x1eb: {  	v6 =	vld [tilespmem:s0+$0xFFFFFFE0];
	[tilespmem:s0+$0xFFFFFFE0] =	vst v12;
	p0 =	slt.u32 s31, $0x3C;
	v8 =	vadd.f32 v51, v50;
	v9 =	vsub.f32 v53, v42;
	v41 =	vmul.f32 v55, v41;
	v50 =	vpop (erf)  }
0x1ec: {  	v37 =	vadd.s32 v37, v24;
	v51 =	vld [tilespmem:s0+$0xFFFFFFF0];
	[tilespmem:s0+$0xFFFFFFF0] =	vst v12;
	v53 =	vsub.f32 v54, v36;
	v43 =	vmul.f32 v50, v43;
	v50 =	vpop (erf)  }
0x1ed: {  	v54 =	vld [tilespmem:s0+$0x0];
	[tilespmem:s0+$0x0] =	vst v12;
	v8 =	vsub.f32 v8, v38;
	v24 =	vmul.f32 v50, v47;
	v41 =	vmul.f32 v41, v52  }
0x1ee: {  	v35 =	vadd.s32 v35, v18;
	v18 =	vadd.s32 s28, v11;
	s28 =	smov.u32 s31;
	v47 =	vld [tilespmem:s0+$0x10];
	[tilespmem:s0+$0x10] =	vst v12;
	v9 =	vmul.f32 v43, v9  }
0x1ef: {  	v8 =	vmul.f32 v49, v8;
	v43 =	vmul.f32 v24, v53;
	v40 =	vadd.f32 v41, v40  }
0x1f0: {  	v24 =	vadd.s32 s3, v11;
	v6 =	vadd.s32 v26, v6;
	v9 =	vadd.f32 v9, v42;
	[tilespmem:v46+s14+$0x0] =	vst.idx.add.s32.msk $0xffff, v7  }
0x1f1: {  	v42 =	vadd.s32 $0x1, v6;
	v41 =	vadd.s32 v3, v6;
	v46 =	vadd.s32 v6, v51;
	[tilespmem:v48+s15+$0x0] =	vst.idx.msk $0xffff, v29  }
0x1f2: {  	vm0 =	vlt.s32 v42, $0x3E;
	v48 =	vadd.s32 $0x1, v46;
	v29 =	vadd.s32 v46, v54;
	[tilespmem:v44+s14+$0x0] =	vst.idx.add.s32.msk $0xffff, v7  }
0x1f3: {  	vm1 =	vlt.s32 v48, $0x3E;
	v44 =	vadd.s32 $0x1, v29;
	v26 =	vadd.s32 v29, v47;
	[tilespmem:v45+s15+$0x0] =	vst.idx.msk $0xffff, v28  }
0x1f4: {  	v28 =	vnsel vm1, $0x3E, v48;
	vm1 =	vlt.s32 v44, $0x3E;
	v45 =	vadd.s32 $0x1, v26;
	[tilespmem:v39+s14+$0x0] =	vst.idx.add.s32.msk $0xffff, v7  }
0x1f5: {  	v39 =	vnsel vm0, $0x3E, v42;
	v47 =	vnsel vm1, $0x3E, v44;
	vm0 =	vlt.s32 v45, $0x3E;
	[tilespmem:v37+s15+$0x0] =	vst.idx.msk $0xffff, v27  }
0x1f6: {  	v27 =	vadd.s32 v3, v28;
	v37 =	vld.idx.msk [tilespmem:v41+s12+$0x0], $0xffff;
	v41 =	vadd.s32 v3, v47;
	v49 =	vnsel vm0, $0x3E, v45  }
0x1f7: {  	v51 =	vadd.s32 v3, v26;
	v50 =	vadd.s32 v3, v39;
	v52 =	vadd.s32 v3, v49  }
0x1f8: {  	v53 =	vadd.s32 v3, v46;
	v54 =	vadd.s32 v3, v29;
	v55 =	vadd.s32 v10, v26  }
0x1f9: {  	v56 =	vadd.s32 v10, v29;
	v57 =	vadd.s32 v13, v29;
	v58 =	vadd.s32 v13, v26  }
0x1fa: {  	s1 =	scvt.s32.f32 s31;
	v59 =	vadd.s32 v10, v6;
	v60 =	vadd.s32 v10, v46;
	v61 =	vadd.s32 v13, v46  }
0x1fb: {  	v62 =	vadd.s32 v13, v6;
	v47 =	vadd.s32 v47, v13;
	v49 =	vadd.s32 v49, v13;
	v63 =	vld.idx.msk [tilespmem:v41+s12+$0x0], $0xffff  }
0x1fc: {  	s1 =	smul.f32 $1.587301680e-02, s1;
	vm2 =	vgt.s32 v26, $0x3D;
	v39 =	vadd.s32 v39, v13;
	v14 =	vadd.s32 v28, v13;
	v41 =	vld.idx.msk [tilespmem:v52+s12+$0x0], $0xffff  }
0x1fd: {  	vm3 =	vgt.s32 v29, $0x3D;
	vm1 =	vgt.s32 v46, $0x3D;
	vm0 =	vgt.s32 v6, $0x3D;
	v6 =	vld.idx.msk [tilespmem:v27+s12+$0x0], $0xffff;
	[tilespmem:v20+s15+$0x0] =	vst.idx.msk $0xffff, v17;
	v20 =	vmovc v35  }
0x1fe: {  	v29 =	vmul.f32 $5.000000000e-01, v40;
	v52 =	vsub.f32 s1, v37;
	v27 =	vadd.f32 v43, v36;
	v17 =	vmovc v25;
	v35 =	vld.idx.msk [tilespmem:v50+s12+$0x0], $0xffff  }
0x1ff: {  	v8 =	vadd.f32 v8, v38;
	v28 =	vmul.f32 $5.000000000e-01, v9;
	v9 =	vadd.s32 s29, v11;
	v36 =	vld.idx.msk [tilespmem:v51+s12+$0x0], $0xffff  }
0x200: {  	vm4 =	vle.f32 v30, v29;
	v27 =	vmul.f32 $5.000000000e-01, v27;
	v38 =	vld.idx.msk [tilespmem:v54+s12+$0x0], $0xffff;
	v54 =	vadd.s32 s30, v11;
	s30 =	sadd.s32 $0x3, s31  }
0x201: {  	s29 =	sadd.s32 $0x2, s31;
	vm5 =	vle.f32 v31, v28;
	v25 =	vmul.f32 $5.000000000e-01, v8;
	v8 =	vsel vm4, $0x1, v1;
	v46 =	vld.idx.msk [tilespmem:v53+s12+$0x0], $0xffff;
	s1 =	scvt.s32.f32 s30  }
0x202: {  	s3 =	scvt.s32.f32 s29;
	v31 =	vsel vm5, $0x1, v1;
	v8 =	vadd.s32 v8, v23;
	v23 =	vmovc v45;
	vm4 =	vle.f32 v32, v27;
	v40 =	vld.idx.msk [tilespmem:v55+s10+$0x0], $0xffff  }
0x203: {  	v45 =	vadd.s32 v31, v22;
	v22 =	vmovc v44;
	vm5 =	vle.f32 v33, v25;
	v32 =	vsel vm4, $0x1, v1;
	v30 =	vld.idx.msk [tilespmem:v58+s10+$0x0], $0xffff;
	s1 =	smul.f32 $1.587301680e-02, s1  }
0x204: {  	s3 =	smul.f32 $1.587301680e-02, s3;
	v33 =	vsub.f32 v35, v37;
	v35 =	vsel vm5, $0x1, v1;
	v37 =	vadd.s32 v32, v21;
	v21 =	vmovc v48;
	v44 =	vld.idx.msk [tilespmem:v56+s10+$0x0], $0xffff  }
0x205: {  	v48 =	vsub.f32 v41, v36;
	v35 =	vadd.s32 v35, v19;
	v19 =	vmovc v42;
	v31 =	vld.idx.msk [tilespmem:v57+s10+$0x0], $0xffff;
	v41 =	vsub.f32 s1, v36  }
0x206: {  	vm4 =	vlt.f32 v33, $9.999999740e-06;
	v42 =	vsub.f32 v63, v38;
	v43 =	vsub.f32 s3, v38;
	v36 =	vld.idx.msk [tilespmem:v60+s10+$0x0], $0xffff  }
0x207: {  	s3 =	sadd.s32 $0x1, s31;
	v33 =	vsel vm4, $0x3F800000, v33;
	v6 =	vsub.f32 v6, v46;
	vm4 =	vlt.f32 v48, $9.999999740e-06;
	v32 =	vld.idx.msk [tilespmem:v61+s10+$0x0], $0xffff  }
0x208: {  	s1 =	scvt.s32.f32 s3;
	vm5 =	vlt.f32 v42, $9.999999740e-06;
	v48 =	vsel vm4, $0x3F800000, v48;
	v38 =	vld.idx.msk [tilespmem:v59+s10+$0x0], $0xffff;
	(erf) = vrcp.f32 v33  }
0x209: {  	vm4 =	vlt.f32 v6, $9.999999740e-06;
	v42 =	vsel vm5, $0x3F800000, v42;
	v33 =	vld.idx.msk [tilespmem:v62+s10+$0x0], $0xffff;
	(erf) = vrcp.f32 v48  }
0x20a: {  	s1 =	smul.f32 $1.587301680e-02, s1;
	v6 =	vsel vm4, $0x3F800000, v6;
	v48 =	vsel vm2, v40, v30;
	v49 =	vld.idx.msk [tilespmem:v49+s10+$0x0], $0xffff;
	(erf) = vrcp.f32 v42  }
0x20b: {  	v40 =	vadd.f32 v30, v40;
	v53 =	vsel vm3, v44, v31;
	v55 =	vld.idx.msk [tilespmem:v47+s10+$0x0], $0xffff;
	(erf) = vrcp.f32 v6  }
0x20c: {  	v42 =	vadd.f32 v31, v44;
	v47 =	vsub.f32 s1, v46;
	v6 =	vld.idx.msk [tilespmem:v14+s10+$0x0], $0xffff;
	v14 =	vshll.u32 v8, $0x4  }
0x20d: {  	v56 =	vsel vm1, v36, v32;
	v36 =	vadd.f32 v32, v36;
	v51 =	vld.idx.msk [tilespmem:v39+s10+$0x0], $0xffff;
	v39 =	vshll.u32 v45, $0x4  }
.Ltmp6:
0x20e: {  	v58 =	vshll.u32 v37, $0x4;
	v57 =	vshll.u32 v35, $0x4;
	v46 =	vor.u32 v0, v14;
	[tilespmem:v34+s14+$0x0] =	vst.idx.add.s32.msk $0xffff, v7;
	(pc) =	sbr.rel @p0 .LBB2_16-.Ltmp6, $4  }
0x20f: {  	v50 =	vsel vm0, v38, v33;
	v38 =	vadd.f32 v33, v38;
	v44 =	vor.u32 v0, v39  }
0x210: {  	v39 =	vor.u32 v0, v58;
	v14 =	vadd.f32 v49, v48;
	v48 =	vadd.s32 v8, v54  }
0x211: {  	v45 =	vadd.s32 v45, v9;
	v34 =	vor.u32 v0, v57;
	v53 =	vadd.f32 v55, v53;
	v8 =	vpop (erf)  }
0x212: {  	s0 =	sadd.s32 $0x40, s0;
	s31 =	sadd.s32 $0x4, s31;
	v54 =	vadd.f32 v6, v56;
	v49 =	vmul.f32 v8, v52;
	v52 =	vsub.f32 v14, v40;
	v55 =	vpop (erf)  }
0x213: {  	v6 =	vmul.f32 v55, v41  }
0x214: {  	v8 =	vpop (erf)  }
0x215: {  	v9 =	vsub.f32 v53, v42;
	v8 =	vmul.f32 v8, v43;
	v13 =	vpop (erf);
	v6 =	vmul.f32 v6, v52  }
0x216: {  	v14 =	vadd.f32 v51, v50;
	v26 =	vsub.f32 v54, v36;
	v13 =	vmul.f32 v13, v47  }
0x217: {  	[tilespmem:v46+s14+$0x0] =	vst.idx.add.s32.msk $0xffff, v7;
	v8 =	vmul.f32 v8, v9;
	v6 =	vadd.f32 v6, v40  }
0x218: {  	v9 =	vsub.f32 v14, v38;
	v14 =	vadd.s32 v37, v24;
	v13 =	vmul.f32 v13, v26  }
0x219: {  	[tilespmem:v44+s14+$0x0] =	vst.idx.add.s32.msk $0xffff, v7;
	v8 =	vadd.f32 v8, v42;
	v6 =	vmul.f32 $5.000000000e-01, v6  }
0x21a: {  	v18 =	vadd.s32 v35, v18;
	v9 =	vmul.f32 v49, v9;
	v13 =	vadd.f32 v13, v36  }
0x21b: {  	[tilespmem:v39+s14+$0x0] =	vst.idx.add.s32.msk $0xffff, v7;
	v26 =	vadd.s32 s30, v11;
	v8 =	vmul.f32 $5.000000000e-01, v8;
	vm0 =	vle.f32 v30, v6  }
0x21c: {  	[tilespmem:v20+s15+$0x0] =	vst.idx.msk $0xffff, v17;
	v9 =	vadd.f32 v9, v38;
	v13 =	vmul.f32 $5.000000000e-01, v13;
	v24 =	vsel vm0, $0x1, v1  }
0x21d: {  	[tilespmem:v14+s15+$0x0] =	vst.idx.msk $0xffff, v27;
	v14 =	vadd.s32 s29, v11;
	vm13 =	vle.f32 v31, v8;
	v23 =	vadd.s32 v24, v23  }
0x21e: {  	[tilespmem:v34+s14+$0x0] =	vst.idx.add.s32.msk $0xffff, v7;
	v9 =	vmul.f32 $5.000000000e-01, v9;
	v24 =	vsel vm13, $0x1, v1;
	v55 =	vshll.u32 v23, $0x4  }
0x21f: {  	vm14 =	vle.f32 v32, v13;
	v22 =	vadd.s32 v24, v22;
	v24 =	vor.u32 v0, v55  }
0x220: {  	[tilespmem:v48+s15+$0x0] =	vst.idx.msk $0xffff, v29;
	v56 =	vsel vm14, $0x1, v1;
	v23 =	vadd.s32 v23, v26;
	v57 =	vshll.u32 v22, $0x4  }
0x221: {  	vm15 =	vle.f32 v33, v9;
	v21 =	vadd.s32 v56, v21;
	v26 =	vor.u32 v0, v57  }
0x222: {  	[tilespmem:v45+s15+$0x0] =	vst.idx.msk $0xffff, v28;
	v14 =	vadd.s32 v22, v14;
	v22 =	vsel vm15, $0x1, v1;
	v17 =	vshll.u32 v21, $0x4  }
0x223: {  	v20 =	vadd.s32 s3, v11;
	[tilespmem:v18+s15+$0x0] =	vst.idx.msk $0xffff, v25;
	v19 =	vadd.s32 v22, v19;
	v17 =	vor.u32 v0, v17  }
0x224: {  	v20 =	vadd.s32 v21, v20;
	v21 =	vshll.u32 v19, $0x4;
	[tilespmem:v24+s14+$0x0] =	vst.idx.add.s32.msk $0xffff, v7  }
0x225: {  	v21 =	vor.u32 v0, v21;
	[tilespmem:v23+s15+$0x0] =	vst.idx.msk $0xffff, v6;
	v6 =	vadd.s32 s28, v11  }
0x226: {  	[tilespmem:v26+s14+$0x0] =	vst.idx.add.s32.msk $0xffff, v7;
	v6 =	vadd.s32 v19, v6  }
0x227: {  	[tilespmem:v14+s15+$0x0] =	vst.idx.msk $0xffff, v8  }
0x228: {  	[tilespmem:v17+s14+$0x0] =	vst.idx.add.s32.msk $0xffff, v7  }
0x229: {  	[tilespmem:v20+s15+$0x0] =	vst.idx.msk $0xffff, v13  }
0x22a: {  	[tilespmem:v21+s14+$0x0] =	vst.idx.add.s32.msk $0xffff, v7  }
0x22b: {  	s0 =	simm.s32 $0x8EC0;
	v13 =	vadd.s32 s25, v10;
	[tilespmem:v6+s15+$0x0] =	vst.idx.msk $0xffff, v9  }
0x22c: {  	v6 =	vld [tilespmem:s0+$0xFFFFFFC0];
	[tilespmem:s0+$0xFFFFFFC0] =	vst v1  }
0x22d: {  	v8 =	vld [tilespmem:s0+$0xFFFFFFD0];
	[tilespmem:s0+$0xFFFFFFD0] =	vst v1  }
0x22e: {  	v9 =	vld [tilespmem:s0+$0xFFFFFFE0];
	[tilespmem:s0+$0xFFFFFFE0] =	vst v1  }
0x22f: {  	v18 =	vld [tilespmem:s0+$0x0];
	[tilespmem:s0+$0xFFFFFFF0] =	vst v1  }
0x230: {  	[tilespmem:s0+$0x0] =	vst v1;
	v58 =	vld.idx.msk [tilespmem:v13+s10+$0x0], $0xffff  }
0x231: {  	v17 =	vadd.s32 s24, v10;
	v13 =	vld [tilespmem:$0x1FFD0]  }
0x232: {  	s31 =	simm.s32 $0x6;
	v19 =	vadd.s32 s23, v10;
	v14 =	vld [tilespmem:s0+$0xFFFFFFF0]  }
0x233: {  	s1 =	simm.s32 $0x5;
	v27 =	vadd.s32 s31, v10;
	v20 =	vld [tilespmem:s0+$0x10]  }
0x234: {  	v62 =	vadd.s32 s1, v11;
	v21 =	vadd.s32 s26, v10;
	v22 =	vld [tilespmem:s0+$0x20];
	v6 =	vadd.s32 v12, v6  }
0x235: {  	v63 =	vadd.s32 s31, v11;
	v24 =	vadd.s32 s1, v10;
	v26 =	vld [tilespmem:s0+$0x30];
	v8 =	vadd.s32 v6, v8  }
0x236: {  	s7 =	simm.s32 $0x7;
	v25 =	vadd.s32 s22, v10;
	v60 =	vld.idx.msk [tilespmem:v17+s10+$0x0], $0xffff;
	v59 =	vadd.s32 v8, v13;
	v8 =	vadd.s32 v8, v9  }
0x237: {  	v23 =	vld.idx.msk [tilespmem:v19+s10+$0x0], $0xffff;
	[tilespmem:s0+$0x20] =	vst v1;
	v9 =	vadd.s32 s7, v10;
	v61 =	vadd.s32 v8, v16;
	v8 =	vadd.s32 v8, v14  }
0x238: {  	v17 =	vadd.s32 s26, v11;
	[tilespmem:s0+$0x10] =	vst v1;
	v19 =	vld.idx.msk [tilespmem:v27+s10+$0x0], $0xffff;
	v12 =	vadd.s32 s22, v11;
	v18 =	vadd.s32 v8, v18  }
0x239: {  	[tilespmem:s0+$0x30] =	vst v1;
	v12 =	vadd.s32 v6, v12;
	v13 =	vld.idx.msk [tilespmem:v21+s10+$0x0], $0xffff;
	v21 =	vadd.s32 s7, v11;
	v6 =	vadd.s32 v18, v20  }
0x23a: {  	v16 =	vld.idx.msk [tilespmem:v24+s10+$0x0], $0xffff;
	v14 =	vadd.s32 v8, v15;
	v18 =	vadd.s32 v18, v17;
	v8 =	vadd.s32 v6, v22  }
0x23b: {  	v17 =	vld.idx.msk [tilespmem:v25+s10+$0x0], $0xffff;
	v15 =	vadd.s32 v6, v62;
	v24 =	vadd.s32 v8, v26;
	[tilespmem:v59+s15+$0x0] =	vst.idx.msk $0xffff, v58  }
0x23c: {  	s3 =	simm.s32 $0x8;
	s0 =	simm.s32 $0x8F40;
	v22 =	vld.idx.msk [tilespmem:v9+s10+$0x0], $0xffff;
	v20 =	vadd.s32 v8, v63;
	v21 =	vadd.s32 v24, v21;
	[tilespmem:v61+s15+$0x0] =	vst.idx.msk $0xffff, v60  }
.LBB2_18:
0x23d: {  	v6 =	vld [tilespmem:s0+$0xFFFFFFC0];
	[tilespmem:s0+$0xFFFFFFC0] =	vst v1;
	s1 =	sadd.s32 $0x1, s3;
	p0 =	slt.u32 s3, $0x38;
	v8 =	vmov v23  }
0x23e: {  	v9 =	vadd.s32 s3, v10;
	v23 =	vadd.s32 s3, v11;
	s7 =	sadd.s32 $0x2, s3;
	s17 =	sadd.s32 $0x3, s3;
	s22 =	sadd.s32 $0x4, s3;
	v25 =	vld [tilespmem:s0+$0xFFFFFFD0];
	[tilespmem:s0+$0xFFFFFFD0] =	vst v1;
	v26 =	vadd.s32 s1, v11  }
0x23f: {  	s23 =	sadd.s32 $0x5, s3;
	s24 =	sadd.s32 $0x6, s3;
	v28 =	vadd.s32 s7, v11;
	v29 =	vadd.s32 s17, v11;
	v30 =	vadd.s32 s22, v11;
	v27 =	vld [tilespmem:s0+$0xFFFFFFE0];
	[tilespmem:s0+$0xFFFFFFE0] =	vst v1  }
0x240: {  	v31 =	vadd.s32 s1, v10;
	v33 =	vadd.s32 s23, v11;
	v34 =	vadd.s32 s24, v11;
	s1 =	sadd.s32 $0x7, s3;
	v32 =	vld [tilespmem:s0+$0xFFFFFFF0];
	[tilespmem:s0+$0xFFFFFFF0] =	vst v1  }
0x241: {  	v35 =	vadd.s32 s7, v10;
	v36 =	vadd.s32 s17, v10;
	v38 =	vadd.s32 s1, v11;
	v37 =	vld [tilespmem:s0+$0x0];
	[tilespmem:s0+$0x0] =	vst v1  }
0x242: {  	v40 =	vadd.s32 s23, v10;
	v6 =	vadd.s32 v24, v6;
	v24 =	vadd.s32 s22, v10;
	v39 =	vld [tilespmem:s0+$0x10];
	[tilespmem:s0+$0x10] =	vst v1  }
0x243: {  	v42 =	vadd.s32 s24, v10;
	v41 =	vadd.s32 v6, v23;
	v6 =	vadd.s32 v6, v25;
	v25 =	vld [tilespmem:s0+$0x20];
	[tilespmem:s0+$0x20] =	vst v1  }
0x244: {  	v43 =	vadd.s32 s1, v10;
	v26 =	vadd.s32 v6, v26;
	v6 =	vadd.s32 v6, v27;
	v27 =	vld [tilespmem:s0+$0x30];
	[tilespmem:s0+$0x30] =	vst v1  }
0x245: {  	v31 =	vld.idx.msk [tilespmem:v31+s10+$0x0], $0xffff;
	v28 =	vadd.s32 v6, v28;
	v6 =	vadd.s32 v6, v32;
	[tilespmem:v21+s15+$0x0] =	vst.idx.msk $0xffff, v22  }
0x246: {  	v32 =	vld.idx.msk [tilespmem:v35+s10+$0x0], $0xffff;
	v22 =	vadd.s32 v6, v29;
	v6 =	vadd.s32 v6, v37;
	[tilespmem:v20+s15+$0x0] =	vst.idx.msk $0xffff, v19  }
0x247: {  	v23 =	vld.idx.msk [tilespmem:v36+s10+$0x0], $0xffff;
	v29 =	vadd.s32 v6, v30;
	v6 =	vadd.s32 v6, v39;
	[tilespmem:v15+s15+$0x0] =	vst.idx.msk $0xffff, v16  }
.Ltmp7:
0x248: {  	v15 =	vadd.s32 v6, v33;
	v6 =	vadd.s32 v6, v25;
	[tilespmem:v18+s15+$0x0] =	vst.idx.msk $0xffff, v13;
	v13 =	vld.idx.msk [tilespmem:v24+s10+$0x0], $0xffff;
	(pc) =	sbr.rel @p0 .LBB2_18-.Ltmp7, $4  }
0x249: {  	v16 =	vld.idx.msk [tilespmem:v40+s10+$0x0], $0xffff;
	v20 =	vadd.s32 v6, v34;
	v24 =	vadd.s32 v6, v27;
	[tilespmem:v14+s15+$0x0] =	vst.idx.msk $0xffff, v8  }
0x24a: {  	v14 =	vmov v22;
	v19 =	vld.idx.msk [tilespmem:v42+s10+$0x0], $0xffff;
	v21 =	vadd.s32 v24, v38;
	[tilespmem:v12+s15+$0x0] =	vst.idx.msk $0xffff, v17;
	v12 =	vmov v41  }
0x24b: {  	v18 =	vmov v29;
	[tilespmem:v26+s15+$0x0] =	vst.idx.msk $0xffff, v31;
	v22 =	vld.idx.msk [tilespmem:v43+s10+$0x0], $0xffff  }
0x24c: {  	s3 =	sadd.s32 $0x8, s3;
	s0 =	sadd.s32 $0x80, s0;
	v17 =	vld.idx.msk [tilespmem:v9+s10+$0x0], $0xffff;
	[tilespmem:v28+s15+$0x0] =	vst.idx.msk $0xffff, v32  }
0x24d: {  	_ =	sdelay $0x2  }
0x24e: {  	s21 =	sadd.s32 $0x1, s21  }
0x24f: {  	[tilespmem:v18+s15+$0x0] =	vst.idx.msk $0xffff, v13;
	p0 =	sne.s32 s21, $0x4  }
.Ltmp8:
0x250: {  	[tilespmem:v14+s15+$0x0] =	vst.idx.msk $0xffff, v23;
	(pc) =	sbr.rel @p0 .LBB2_7-.Ltmp8, $4  }
0x251: {  	[tilespmem:v15+s15+$0x0] =	vst.idx.msk $0xffff, v16  }
0x252: {  	[tilespmem:v20+s15+$0x0] =	vst.idx.msk $0xffff, v19  }
0x253: {  	[tilespmem:v21+s15+$0x0] =	vst.idx.msk $0xffff, v22  }
0x254: {  	[tilespmem:v12+s15+$0x0] =	vst.idx.msk $0xffff, v17  }
0x255: {  	s28 =	simm.s32 $0x0  }
0x256: {  	v6 =	vadd.s32 s28, v0;
	_ =	sdelay $0x2  }
0x257: {  	s3 =	simm.s32 $0x81  }
0x258: {  	v10 =	vadd.s32 s3, v0  }
0x259: {  	v6 =	vld.idx.msk [tilespmem:v6+s15+$0x0], $0xffff  }
0x25a: {  	s0 =	simm.s32 $0x102;
	v8 =	vadd.s32 s28, v2  }
0x25b: {  	s7 =	simm.s32 $0x183;
	v9 =	vadd.s32 s0, v0  }
0x25c: {  	v12 =	vadd.s32 s7, v0  }
0x25d: {  	s24 =	simm.s32 $0x6280;
	v10 =	vld.idx.msk [tilespmem:v10+s15+$0x0], $0xffff  }
0x25e: {  	v13 =	vadd.s32 s3, v2;
	[tilespmem:s24+$0xFFFFFF00] =	vst v6  }
0x25f: {  	v6 =	vld.idx.msk [tilespmem:v8+s15+$0x0], $0xffff  }
0x260: {  	v8 =	vld.idx.msk [tilespmem:v9+s15+$0x0], $0xffff;
	v9 =	vadd.s32 s28, v4  }
0x261: {  	v11 =	vadd.s32 s0, v2;
	v12 =	vld.idx.msk [tilespmem:v12+s15+$0x0], $0xffff  }
0x262: {  	v15 =	vadd.s32 s7, v2;
	[tilespmem:s24+$0xFFFFFF80] =	vst v10  }
0x263: {  	v13 =	vld.idx.msk [tilespmem:v13+s15+$0x0], $0xffff  }
0x264: {  	s30 =	simm.s32 $0x204;
	v16 =	vadd.s32 s3, v4;
	[tilespmem:s24+$0xFFFFFF10] =	vst v6  }
0x265: {  	v14 =	vadd.s32 s30, v0;
	[tilespmem:s24+$0x0] =	vst v8;
	v6 =	vld.idx.msk [tilespmem:v9+s15+$0x0], $0xffff  }
0x266: {  	[tilespmem:s24+$0x80] =	vst v12;
	v8 =	vld.idx.msk [tilespmem:v11+s15+$0x0], $0xffff;
	v9 =	vadd.s32 s28, v5  }
0x267: {  	v15 =	vld.idx.msk [tilespmem:v15+s15+$0x0], $0xffff;
	v11 =	vadd.s32 s0, v4  }
0x268: {  	s22 =	simm.s32 $0x285;
	v17 =	vadd.s32 s7, v4;
	[tilespmem:s24+$0xFFFFFF90] =	vst v13  }
0x269: {  	v18 =	vadd.s32 s22, v0;
	v16 =	vld.idx.msk [tilespmem:v16+s15+$0x0], $0xffff  }
0x26a: {  	s23 =	simm.s32 $0x306;
	v14 =	vld.idx.msk [tilespmem:v14+s15+$0x0], $0xffff;
	[tilespmem:s24+$0xFFFFFF20] =	vst v6  }
0x26b: {  	v10 =	vor.u32 $0x40, v0;
	[tilespmem:s24+$0x10] =	vst v8;
	v6 =	vadd.s32 s23, v0;
	v8 =	vld.idx.msk [tilespmem:v9+s15+$0x0], $0xffff  }
0x26c: {  	[tilespmem:s24+$0x90] =	vst v15;
	v9 =	vld.idx.msk [tilespmem:v11+s15+$0x0], $0xffff;
	v11 =	vadd.s32 s28, v10  }
0x26d: {  	v12 =	vadd.s32 s0, v5;
	v17 =	vld.idx.msk [tilespmem:v17+s15+$0x0], $0xffff  }
0x26e: {  	s21 =	simm.s32 $0x6480;
	[tilespmem:s24+$0xFFFFFFA0] =	vst v16;
	v16 =	vld.idx.msk [tilespmem:v18+s15+$0x0], $0xffff;
	v18 =	vadd.s32 s7, v5  }
0x26f: {  	[tilespmem:s21+$0xFFFFFF00] =	vst v14;
	v13 =	vadd.s32 s30, v2  }
0x270: {  	v6 =	vld.idx.msk [tilespmem:v6+s15+$0x0], $0xffff;
	[tilespmem:s24+$0xFFFFFF30] =	vst v8;
	v8 =	vadd.s32 s3, v5  }
0x271: {  	v15 =	vadd.s32 s23, v2;
	[tilespmem:s24+$0x20] =	vst v9;
	v9 =	vld.idx.msk [tilespmem:v11+s15+$0x0], $0xffff;
	v11 =	vor.u32 $0x50, v0  }
0x272: {  	[tilespmem:s24+$0xA0] =	vst v17;
	v12 =	vld.idx.msk [tilespmem:v12+s15+$0x0], $0xffff;
	v14 =	vadd.s32 s28, v11  }
0x273: {  	v19 =	vadd.s32 s0, v10;
	v17 =	vld.idx.msk [tilespmem:v18+s15+$0x0], $0xffff  }
0x274: {  	v13 =	vld.idx.msk [tilespmem:v13+s15+$0x0], $0xffff;
	[tilespmem:s21+$0xFFFFFF80] =	vst v16;
	v16 =	vadd.s32 s7, v10  }
0x275: {  	v20 =	vadd.s32 s22, v2;
	[tilespmem:s21+$0x0] =	vst v6;
	v8 =	vld.idx.msk [tilespmem:v8+s15+$0x0], $0xffff  }
0x276: {  	v15 =	vld.idx.msk [tilespmem:v15+s15+$0x0], $0xffff;
	[tilespmem:s24+$0xFFFFFF40] =	vst v9;
	v9 =	vadd.s32 s30, v4  }
0x277: {  	v21 =	vadd.s32 s3, v10;
	[tilespmem:s24+$0x30] =	vst v12;
	v12 =	vor.u32 $0x60, v0;
	v14 =	vld.idx.msk [tilespmem:v14+s15+$0x0], $0xffff  }
0x278: {  	[tilespmem:s24+$0xB0] =	vst v17;
	v6 =	vld.idx.msk [tilespmem:v19+s15+$0x0], $0xffff;
	v19 =	vadd.s32 s28, v12  }
0x279: {  	[tilespmem:s21+$0xFFFFFF10] =	vst v13;
	v13 =	vadd.s32 s23, v4;
	v16 =	vld.idx.msk [tilespmem:v16+s15+$0x0], $0xffff  }
0x27a: {  	s25 =	simm.s32 $0x387;
	v18 =	vadd.s32 s0, v11;
	[tilespmem:s24+$0xFFFFFFB0] =	vst v8;
	v8 =	vld.idx.msk [tilespmem:v20+s15+$0x0], $0xffff  }
0x27b: {  	v20 =	vadd.s32 s25, v0;
	[tilespmem:s21+$0x10] =	vst v15;
	v9 =	vld.idx.msk [tilespmem:v9+s15+$0x0], $0xffff  }
0x27c: {  	s26 =	simm.s32 $0x408;
	[tilespmem:s24+$0xFFFFFF50] =	vst v14;
	v14 =	vld.idx.msk [tilespmem:v21+s15+$0x0], $0xffff;
	v21 =	vadd.s32 s22, v4  }
0x27d: {  	[tilespmem:s24+$0x40] =	vst v6;
	v6 =	vadd.s32 s26, v0;
	v15 =	vld.idx.msk [tilespmem:v19+s15+$0x0], $0xffff  }
0x27e: {  	v22 =	vadd.s32 s30, v5;
	v19 =	vld.idx.msk [tilespmem:v13+s15+$0x0], $0xffff  }
0x27f: {  	v23 =	vadd.s32 s3, v11;
	[tilespmem:s24+$0xC0] =	vst v16;
	v13 =	vor.u32 $0x70, v0;
	v18 =	vld.idx.msk [tilespmem:v18+s15+$0x0], $0xffff  }
0x280: {  	v17 =	vadd.s32 s28, v13;
	[tilespmem:s21+$0xFFFFFF90] =	vst v8;
	v8 =	vld.idx.msk [tilespmem:v20+s15+$0x0], $0xffff  }
0x281: {  	v20 =	vadd.s32 s7, v11;
	[tilespmem:s21+$0xFFFFFF20] =	vst v9;
	v21 =	vld.idx.msk [tilespmem:v21+s15+$0x0], $0xffff  }
0x282: {  	s31 =	simm.s32 $0x50A;
	[tilespmem:s24+$0xFFFFFFC0] =	vst v14;
	v14 =	vadd.s32 s25, v2;
	v6 =	vld.idx.msk [tilespmem:v6+s15+$0x0], $0xffff  }
0x283: {  	v9 =	vadd.s32 s31, v0;
	v22 =	vld.idx.msk [tilespmem:v22+s15+$0x0], $0xffff;
	[tilespmem:s24+$0xFFFFFF60] =	vst v15  }
0x284: {  	s29 =	simm.s32 $0x489;
	v15 =	vadd.s32 s26, v2;
	[tilespmem:s21+$0x20] =	vst v19;
	v23 =	vld.idx.msk [tilespmem:v23+s15+$0x0], $0xffff  }
0x285: {  	v19 =	vadd.s32 s29, v0;
	[tilespmem:s24+$0x50] =	vst v18;
	v17 =	vld.idx.msk [tilespmem:v17+s15+$0x0], $0xffff  }
0x286: {  	v16 =	vadd.s32 s30, v10;
	[tilespmem:s21+$0x80] =	vst v8;
	v8 =	vld.idx.msk [tilespmem:v20+s15+$0x0], $0xffff  }
0x287: {  	s28 =	simm.s32 $0x6680;
	v20 =	vadd.s32 s23, v5;
	[tilespmem:s21+$0xFFFFFFA0] =	vst v21;
	v14 =	vld.idx.msk [tilespmem:v14+s15+$0x0], $0xffff  }
0x288: {  	v21 =	vadd.s32 s3, v12;
	[tilespmem:s28+$0xFFFFFF00] =	vst v6;
	v6 =	vld.idx.msk [tilespmem:v9+s15+$0x0], $0xffff  }
0x289: {  	[tilespmem:s21+$0xFFFFFF30] =	vst v22;
	v22 =	vadd.s32 s0, v12;
	v9 =	vld.idx.msk [tilespmem:v15+s15+$0x0], $0xffff  }
0x28a: {  	v15 =	vadd.s32 s22, v5;
	v19 =	vld.idx.msk [tilespmem:v19+s15+$0x0], $0xffff;
	[tilespmem:s24+$0xFFFFFFD0] =	vst v23  }
0x28b: {  	v16 =	vld.idx.msk [tilespmem:v16+s15+$0x0], $0xffff;
	v23 =	vadd.s32 s25, v4;
	[tilespmem:s24+$0xFFFFFF70] =	vst v17  }
0x28c: {  	v17 =	vadd.s32 s7, v12;
	v20 =	vld.idx.msk [tilespmem:v20+s15+$0x0], $0xffff;
	[tilespmem:s24+$0xD0] =	vst v8  }
0x28d: {  	v28 =	vadd.s32 s29, v2;
	v21 =	vld.idx.msk [tilespmem:v21+s15+$0x0], $0xffff;
	[tilespmem:s28+$0x0] =	vst v6  }
0x28e: {  	v8 =	vadd.s32 s30, v11;
	[tilespmem:s21+$0x90] =	vst v14;
	v14 =	vld.idx.msk [tilespmem:v22+s15+$0x0], $0xffff  }
0x28f: {  	v18 =	vadd.s32 s23, v10;
	v6 =	vld.idx.msk [tilespmem:v15+s15+$0x0], $0xffff;
	[tilespmem:s28+$0xFFFFFF10] =	vst v9  }
0x290: {  	v15 =	vadd.s32 s31, v2;
	[tilespmem:s21+$0xFFFFFF40] =	vst v16;
	v16 =	vld.idx.msk [tilespmem:v23+s15+$0x0], $0xffff  }
0x291: {  	v22 =	vadd.s32 s3, v13;
	[tilespmem:s28+$0xFFFFFF80] =	vst v19;
	v9 =	vld.idx.msk [tilespmem:v17+s15+$0x0], $0xffff  }
0x292: {  	v17 =	vadd.s32 s0, v13;
	v28 =	vld.idx.msk [tilespmem:v28+s15+$0x0], $0xffff  }
0x293: {  	v23 =	vadd.s32 s7, v13;
	v8 =	vld.idx.msk [tilespmem:v8+s15+$0x0], $0xffff;
	[tilespmem:s21+$0x30] =	vst v20  }
0x294: {  	v20 =	vadd.s32 s25, v5;
	v33 =	vld.idx.msk [tilespmem:v18+s15+$0x0], $0xffff;
	[tilespmem:s24+$0xFFFFFFE0] =	vst v21  }
0x295: {  	v21 =	vadd.s32 s26, v4;
	[tilespmem:s24+$0x60] =	vst v14;
	v26 =	vld.idx.msk [tilespmem:v15+s15+$0x0], $0xffff  }
0x296: {  	v34 =	vadd.s32 s22, v10;
	v24 =	vld.idx.msk [tilespmem:v22+s15+$0x0], $0xffff;
	[tilespmem:s21+$0xA0] =	vst v16  }
0x297: {  	v31 =	vadd.s32 s30, v12;
	s0 =	simm.s32 $0x58B;
	v27 =	vld.idx.msk [tilespmem:v17+s15+$0x0], $0xffff;
	[tilespmem:s24+$0xE0] =	vst v9  }
0x298: {  	v32 =	vadd.s32 s31, v4;
	v19 =	vadd.s32 s0, v0;
	v18 =	vadd.s32 s0, v2;
	[tilespmem:s21+$0xFFFFFFB0] =	vst v6;
	v29 =	vld.idx.msk [tilespmem:v23+s15+$0x0], $0xffff  }
0x299: {  	v15 =	vadd.s32 s29, v4;
	v30 =	vld.idx.msk [tilespmem:v20+s15+$0x0], $0xffff;
	v23 =	vadd.s32 s23, v11;
	[tilespmem:s21+$0xFFFFFF50] =	vst v8  }
0x29a: {  	v14 =	vadd.s32 s25, v12;
	v22 =	vadd.s32 s25, v10;
	v17 =	vadd.s32 s23, v12;
	[tilespmem:s21+$0x40] =	vst v33;
	v25 =	vld.idx.msk [tilespmem:v21+s15+$0x0], $0xffff  }
0x29b: {  	s3 =	simm.s32 $0x8;
	s7 =	simm.s32 $0x60C;
	v16 =	vadd.s32 s22, v12;
	v20 =	vadd.s32 s25, v11;
	v21 =	vadd.s32 s22, v11;
	[tilespmem:s28+$0x10] =	vst v26;
	v26 =	vld.idx.msk [tilespmem:v34+s15+$0x0], $0xffff  }
.LBB2_21:
0x29c: {  	v6 =	vadd.s32 s7, v0;
	s1 =	sadd.s32 $0x81, s7;
	s3 =	sadd.s32 $0x4, s3;
	v8 =	vld.idx.msk [tilespmem:v31+s15+$0x0], $0xffff;
	[tilespmem:s24+$0x70] =	vst v27  }
0x29d: {  	s17 =	sadd.s32 $0x102, s7;
	v34 =	vadd.s32 s25, v13;
	v9 =	vadd.s32 s1, v0;
	v27 =	vadd.s32 s1, v4;
	p0 =	slt.u32 s3, $0x3C;
	v31 =	vld.idx.msk [tilespmem:v32+s15+$0x0], $0xffff;
	[tilespmem:s24+$0xF0] =	vst v29  }
0x29e: {  	s2 =	sadd.s32 $0x183, s7;
	v29 =	vadd.s32 s17, v0;
	v32 =	vadd.s32 s26, v5;
	v33 =	vld.idx.msk [tilespmem:v23+s15+$0x0], $0xffff;
	[tilespmem:s21+$0xB0] =	vst v30  }
0x29f: {  	s25 =	smov.u32 s0;
	s0 =	smov.u32 s2;
	v23 =	vadd.s32 s2, v0;
	v30 =	vadd.s32 s30, v13;
	v22 =	vld.idx.msk [tilespmem:v22+s15+$0x0], $0xffff;
	[tilespmem:s24+$0xFFFFFFF0] =	vst v24;
	s24 =	smov.u32 s21  }
0x2a0: {  	v35 =	vadd.s32 s23, v13;
	s23 =	smov.u32 s31;
	[tilespmem:s28+$0xFFFFFF90] =	vst v28;
	v24 =	vld.idx.msk [tilespmem:v19+s15+$0x0], $0xffff;
	v28 =	vadd.s32 s22, v13;
	v19 =	vmov v23;
	s22 =	smov.u32 s29;
	s29 =	smov.u32 s1  }
0x2a1: {  	s31 =	smov.u32 s17;
	s30 =	smov.u32 s26;
	s21 =	smov.u32 s28;
	v23 =	vld.idx.msk [tilespmem:v15+s15+$0x0], $0xffff;
	[tilespmem:s24+$0xFFFFFFC0] =	vst v26;
	v15 =	vmov v27  }
0x2a2: {  	s26 =	smov.u32 s7;
	v6 =	vld.idx.msk [tilespmem:v6+s15+$0x0], $0xffff;
	[tilespmem:s28+$0xFFFFFF20] =	vst v25  }
0x2a3: {  	v25 =	vadd.s32 s7, v2;
	v26 =	vld.idx.msk [tilespmem:v32+s15+$0x0], $0xffff;
	[tilespmem:s24+$0xFFFFFF60] =	vst v8  }
0x2a4: {  	v8 =	vadd.s32 s29, v2;
	[tilespmem:s28+$0x20] =	vst v31;
	v27 =	vld.idx.msk [tilespmem:v30+s15+$0x0], $0xffff  }
0x2a5: {  	v32 =	vadd.s32 s30, v10;
	v30 =	vadd.s32 s31, v2;
	v21 =	vld.idx.msk [tilespmem:v21+s15+$0x0], $0xffff;
	[tilespmem:s24+$0xC0] =	vst v22  }
0x2a6: {  	v31 =	vadd.s32 s0, v2;
	s28 =	sadd.s32 $0x200, s28;
	v22 =	vadd.s32 s25, v10;
	[tilespmem:s21+$0x80] =	vst v24;
	v20 =	vld.idx.msk [tilespmem:v20+s15+$0x0], $0xffff  }
0x2a7: {  	v36 =	vadd.s32 s22, v10;
	v24 =	vadd.s32 s23, v10;
	[tilespmem:s21+$0xFFFFFFA0] =	vst v23;
	v23 =	vadd.s32 s23, v5;
	v37 =	vld.idx.msk [tilespmem:v18+s15+$0x0], $0xffff;
	v18 =	vmovc v31  }
0x2a8: {  	[tilespmem:s28+$0xFFFFFF00] =	vst v6;
	v6 =	vld.idx.msk [tilespmem:v29+s15+$0x0], $0xffff  }
0x2a9: {  	v25 =	vld.idx.msk [tilespmem:v25+s15+$0x0], $0xffff;
	[tilespmem:s21+$0xFFFFFF30] =	vst v26;
	v26 =	vadd.s32 s22, v5  }
0x2aa: {  	v9 =	vld.idx.msk [tilespmem:v9+s15+$0x0], $0xffff;
	[tilespmem:s24+$0xFFFFFF70] =	vst v27  }
0x2ab: {  	v27 =	vld.idx.msk [tilespmem:v32+s15+$0x0], $0xffff;
	[tilespmem:s24+$0xFFFFFFD0] =	vst v21  }
0x2ac: {  	v31 =	vadd.s32 s25, v4;
	v29 =	vld.idx.msk [tilespmem:v23+s15+$0x0], $0xffff;
	[tilespmem:s24+$0xD0] =	vst v20  }
0x2ad: {  	v32 =	vadd.s32 s30, v11;
	v23 =	vadd.s32 s23, v11;
	v16 =	vld.idx.msk [tilespmem:v16+s15+$0x0], $0xffff;
	[tilespmem:s24+$0x50] =	vst v33  }
0x2ae: {  	v21 =	vadd.s32 s22, v11;
	v20 =	vadd.s32 s25, v11;
	[tilespmem:s28+$0x0] =	vst v6;
	v6 =	vld.idx.msk [tilespmem:v26+s15+$0x0], $0xffff  }
0x2af: {  	[tilespmem:s21+$0x90] =	vst v37;
	v17 =	vld.idx.msk [tilespmem:v17+s15+$0x0], $0xffff  }
0x2b0: {  	[tilespmem:s28+$0xFFFFFF10] =	vst v25;
	v14 =	vld.idx.msk [tilespmem:v14+s15+$0x0], $0xffff  }
0x2b1: {  	[tilespmem:s21+$0xFFFFFF40] =	vst v27;
	v25 =	vld.idx.msk [tilespmem:v31+s15+$0x0], $0xffff  }
0x2b2: {  	v26 =	vld.idx.msk [tilespmem:v32+s15+$0x0], $0xffff;
	[tilespmem:s21+$0x30] =	vst v29  }
0x2b3: {  	v37 =	vadd.s32 s25, v5;
	v33 =	vld.idx.msk [tilespmem:v24+s15+$0x0], $0xffff;
	[tilespmem:s24+$0xFFFFFFE0] =	vst v16  }
0x2b4: {  	v38 =	vadd.s32 s7, v4;
	[tilespmem:s28+$0xFFFFFF80] =	vst v9;
	v9 =	vld.idx.msk [tilespmem:v30+s15+$0x0], $0xffff  }
0x2b5: {  	v24 =	vld.idx.msk [tilespmem:v28+s15+$0x0], $0xffff;
	[tilespmem:s24+$0x60] =	vst v17  }
0x2b6: {  	v31 =	vadd.s32 s30, v12;
	v27 =	vld.idx.msk [tilespmem:v35+s15+$0x0], $0xffff;
	[tilespmem:s24+$0xE0] =	vst v14  }
.Ltmp9:
0x2b7: {  	v32 =	vadd.s32 s31, v4;
	v16 =	vadd.s32 s22, v12;
	[tilespmem:s21+$0xA0] =	vst v25;
	v29 =	vld.idx.msk [tilespmem:v34+s15+$0x0], $0xffff;
	(pc) =	sbr.rel @p0 .LBB2_21-.Ltmp9, $4  }
0x2b8: {  	v17 =	vadd.s32 s23, v12;
	v14 =	vadd.s32 s25, v12;
	[tilespmem:s21+$0xFFFFFFB0] =	vst v6;
	v30 =	vld.idx.msk [tilespmem:v37+s15+$0x0], $0xffff  }
0x2b9: {  	v25 =	vld.idx.msk [tilespmem:v38+s15+$0x0], $0xffff;
	[tilespmem:s21+$0xFFFFFF50] =	vst v26  }
0x2ba: {  	v28 =	vld.idx.msk [tilespmem:v8+s15+$0x0], $0xffff;
	[tilespmem:s28+$0x10] =	vst v9  }
0x2bb: {  	s7 =	sadd.s32 $0x204, s7;
	v26 =	vld.idx.msk [tilespmem:v36+s15+$0x0], $0xffff;
	[tilespmem:s21+$0x40] =	vst v33  }
0x2bc: {  	_ =	sdelay $0x3  }
0x2bd: {  	v6 =	vld.idx.msk [tilespmem:v19+s15+$0x0], $0xffff;
	_ =	sdelay $0x3  }
0x2be: {  	[tilespmem:s24+$0x70] =	vst v27  }
0x2bf: {  	[tilespmem:s28+$0x80] =	vst v6  }
0x2c0: {  	[tilespmem:s24+$0xF0] =	vst v29;
	v6 =	vld.idx.msk [tilespmem:v18+s15+$0x0], $0xffff  }
0x2c1: {  	v8 =	vadd.s32 s0, v4;
	[tilespmem:s28+$0xFFFFFF90] =	vst v28  }
0x2c2: {  	[tilespmem:s24+$0xFFFFFFF0] =	vst v24;
	v15 =	vld.idx.msk [tilespmem:v15+s15+$0x0], $0xffff  }
0x2c3: {  	v9 =	vld.idx.msk [tilespmem:v31+s15+$0x0], $0xffff;
	v36 =	vadd.s32 s29, v5;
	[tilespmem:s21+$0xB0] =	vst v30  }
0x2c4: {  	v33 =	vld.idx.msk [tilespmem:v32+s15+$0x0], $0xffff;
	[tilespmem:s28+$0xFFFFFF20] =	vst v25  }
0x2c5: {  	v31 =	vadd.s32 s26, v5;
	v43 =	vld.idx.msk [tilespmem:v23+s15+$0x0], $0xffff;
	[tilespmem:s28+$0x90] =	vst v6  }
0x2c6: {  	[tilespmem:s21+$0xFFFFFFC0] =	vst v26;
	v6 =	vadd.s32 s31, v5;
	v8 =	vld.idx.msk [tilespmem:v8+s15+$0x0], $0xffff  }
0x2c7: {  	v35 =	vadd.s32 s0, v5;
	v22 =	vld.idx.msk [tilespmem:v22+s15+$0x0], $0xffff;
	[tilespmem:s28+$0xFFFFFFA0] =	vst v15  }
0x2c8: {  	v34 =	vadd.s32 s30, v13;
	[tilespmem:s21+$0xFFFFFF60] =	vst v9;
	v9 =	vld.idx.msk [tilespmem:v36+s15+$0x0], $0xffff  }
0x2c9: {  	v42 =	vadd.s32 s29, v10;
	[tilespmem:s28+$0x20] =	vst v33;
	v21 =	vld.idx.msk [tilespmem:v21+s15+$0x0], $0xffff  }
0x2ca: {  	[tilespmem:s21+$0x50] =	vst v43;
	v18 =	vld.idx.msk [tilespmem:v31+s15+$0x0], $0xffff  }
0x2cb: {  	v38 =	vadd.s32 s26, v10;
	v6 =	vld.idx.msk [tilespmem:v6+s15+$0x0], $0xffff;
	[tilespmem:s28+$0xA0] =	vst v8  }
0x2cc: {  	[tilespmem:s21+$0xC0] =	vst v22;
	v8 =	vadd.s32 s31, v10;
	v39 =	vld.idx.msk [tilespmem:v35+s15+$0x0], $0xffff  }
0x2cd: {  	v40 =	vadd.s32 s0, v10;
	v37 =	vld.idx.msk [tilespmem:v34+s15+$0x0], $0xffff;
	[tilespmem:s28+$0xFFFFFFB0] =	vst v9  }
0x2ce: {  	[tilespmem:s21+$0xFFFFFFD0] =	vst v21;
	v10 =	vld.idx.msk [tilespmem:v42+s15+$0x0], $0xffff  }
0x2cf: {  	v48 =	vadd.s32 s29, v11;
	v17 =	vld.idx.msk [tilespmem:v17+s15+$0x0], $0xffff;
	[tilespmem:s28+$0xFFFFFF30] =	vst v18  }
0x2d0: {  	v44 =	vld.idx.msk [tilespmem:v38+s15+$0x0], $0xffff;
	[tilespmem:s28+$0x30] =	vst v6  }
0x2d1: {  	v6 =	vadd.s32 s26, v11;
	v8 =	vld.idx.msk [tilespmem:v8+s15+$0x0], $0xffff;
	[tilespmem:s28+$0xB0] =	vst v39  }
0x2d2: {  	v45 =	vadd.s32 s31, v11;
	[tilespmem:s21+$0xFFFFFF70] =	vst v37;
	v46 =	vld.idx.msk [tilespmem:v40+s15+$0x0], $0xffff  }
0x2d3: {  	v47 =	vadd.s32 s0, v11;
	v41 =	vld.idx.msk [tilespmem:v20+s15+$0x0], $0xffff;
	[tilespmem:s28+$0xFFFFFFC0] =	vst v10  }
0x2d4: {  	[tilespmem:s21+$0x60] =	vst v17;
	v11 =	vld.idx.msk [tilespmem:v48+s15+$0x0], $0xffff  }
0x2d5: {  	v53 =	vadd.s32 s29, v12;
	v16 =	vld.idx.msk [tilespmem:v16+s15+$0x0], $0xffff;
	[tilespmem:s28+$0xFFFFFF40] =	vst v44  }
0x2d6: {  	v49 =	vadd.s32 s23, v13;
	v6 =	vld.idx.msk [tilespmem:v6+s15+$0x0], $0xffff;
	[tilespmem:s28+$0x40] =	vst v8  }
0x2d7: {  	v8 =	vadd.s32 s26, v12;
	v15 =	vld.idx.msk [tilespmem:v45+s15+$0x0], $0xffff;
	[tilespmem:s28+$0xC0] =	vst v46  }
0x2d8: {  	v50 =	vadd.s32 s31, v12;
	[tilespmem:s21+$0xD0] =	vst v41;
	v51 =	vld.idx.msk [tilespmem:v47+s15+$0x0], $0xffff  }
0x2d9: {  	v52 =	vadd.s32 s0, v12;
	v14 =	vld.idx.msk [tilespmem:v14+s15+$0x0], $0xffff;
	[tilespmem:s28+$0xFFFFFFD0] =	vst v11  }
0x2da: {  	v54 =	vadd.s32 s25, v13;
	[tilespmem:s21+$0xFFFFFFE0] =	vst v16;
	v12 =	vld.idx.msk [tilespmem:v53+s15+$0x0], $0xffff  }
0x2db: {  	v61 =	vadd.s32 s29, v13;
	v55 =	vld.idx.msk [tilespmem:v49+s15+$0x0], $0xffff;
	[tilespmem:s28+$0xFFFFFF50] =	vst v6  }
0x2dc: {  	v6 =	vadd.s32 s22, v13;
	v8 =	vld.idx.msk [tilespmem:v8+s15+$0x0], $0xffff;
	[tilespmem:s28+$0x50] =	vst v15  }
0x2dd: {  	v56 =	vadd.s32 s26, v13;
	v9 =	vld.idx.msk [tilespmem:v50+s15+$0x0], $0xffff;
	[tilespmem:s28+$0xD0] =	vst v51  }
0x2de: {  	v57 =	vadd.s32 s31, v13;
	[tilespmem:s21+$0xE0] =	vst v14;
	v58 =	vld.idx.msk [tilespmem:v52+s15+$0x0], $0xffff  }
0x2df: {  	v59 =	vadd.s32 s0, v13;
	v60 =	vld.idx.msk [tilespmem:v54+s15+$0x0], $0xffff;
	[tilespmem:s28+$0xFFFFFFE0] =	vst v12  }
0x2e0: {  	[tilespmem:s21+$0x70] =	vst v55;
	v63 =	vld.idx.msk [tilespmem:v61+s15+$0x0], $0xffff  }
0x2e1: {  	v6 =	vld.idx.msk [tilespmem:v6+s15+$0x0], $0xffff;
	[tilespmem:s28+$0xFFFFFF60] =	vst v8  }
0x2e2: {  	v8 =	vld.idx.msk [tilespmem:v56+s15+$0x0], $0xffff;
	[tilespmem:s28+$0x60] =	vst v9  }
0x2e3: {  	v9 =	vld.idx.msk [tilespmem:v57+s15+$0x0], $0xffff;
	[tilespmem:s28+$0xE0] =	vst v58  }
0x2e4: {  	[tilespmem:s21+$0xF0] =	vst v60;
	v62 =	vld.idx.msk [tilespmem:v59+s15+$0x0], $0xffff  }
0x2e5: {  	[tilespmem:s28+$0xFFFFFFF0] =	vst v63  }
0x2e6: {  	[tilespmem:s21+$0xFFFFFFF0] =	vst v6  }
0x2e7: {  	s19 =	sadd.s32 $0x1, s19;
	[tilespmem:s28+$0xFFFFFF70] =	vst v8  }
0x2e8: {  	s30 =	sshll.u32 s20, $0x4;
	s1 =	rddreg [dreg:$0x1];
	p0 =	sne.s32 s19, $0x40;
	[tilespmem:s28+$0x70] =	vst v9  }
.Ltmp10:
0x2e9: {  	s0 =	sadd.s32 s1, s30;
	s31 =	simm.s32 $0x0;
	[tilespmem:s28+$0xF0] =	vst v62;
	(pc) =	sbr.rel @p0 .LBB2_4-.Ltmp10, $4  }
0x2ea: {  	[hbm4b:s0+s31] =	stream.linear.scatter [tilespmem:s16], [sflag:$0x1], $0x2000, $0x38;
	[tilespmem:$0x9300] =	vst v63  }
0x2eb: {  	_ =	swait.ge [sflag:s8], $0x2000  }
0x2ec: {  	[sflag:s8] =	ssyncset.done $0x0  }
0x2ed: {  	[sflag:s8] =	ssyncadd.s32 $0xFFFFE000  }
0x2ee: {  	s1 =	rddreg [dreg:$0x4]  }
0x2ef: {  	s0 =	rddreg [dreg:$0x3];
	s1 =	sadd.s32 $0x1, s1  }
0x2f0: {  	p0 =	sne.s32 s1, s0  }
.Ltmp11:
0x2f1: {  	_ = 	snop;
	(pc) =	sbr.rel @p0 .LBB2_1-.Ltmp11, $1  }
0x2f2: {  	_ =	sdelay $0x3  }
0x2f3: {  	_ =	sfence.sel $0x180000  }
0x2f4: {  	[bflag:$0x0] =	sbarrier.arrive $0xFFFF  }
0x2f5: {  	_ =	strace $0x90000047  }
0x2f6: {  	s0 =	stileid.u32;
	[bflag:$0x2] =	sbarrier.arrive $0xFFFF  }
0x2f7: {  	p0 =	sne.s32 s0, $0x0;
	s0 =	rddreg [dreg:$0x2]  }
0x2f8: {  	s0 =	sadd.s32 @!p0 $0x100000, s0  }
0x2f9: {  	[sflag:s0] =	ssyncadd.tile.s32 @!p0 $0x1;
	_ =	shalt  }
.Lfunc_end2:
_tile_overlayer_lowered:
.L_overlay_start_2:
0x2fa: {  	(tag) =	ssettag $0x2  }
0x2fb: {  	s0 =	rddreg [dreg:$0x0];
	s2 =	stileid.u32  }
0x2fc: {  	s1 =	rddreg [dreg:$0x1];
	p0 =	sne.s32 s2, $0x0  }
0x2fd: {  	s3 =	rddreg [dreg:$0x2];
	[bflag:$0x3] =	sbarrier.arrive $0xFFFF;
	s2 =	simm.s32 @!p0 $0x1C01  }
0x2fe: {  	[timem:s3], [sflag:s2] =	dma.local @!p0 [hbm:s0], s1  }
0x2ff: {  	s0 =	simm.s32 @!p0 $0x1  }
0x300: {  	_ =	swait.ge @!p0 [sflag:s0], s1  }
0x301: {  	s1 =	ssub.s32 @!p0 $0x0, s1;
	[sflag:s0] =	ssyncset.done @!p0 $0x0  }
0x302: {  	[sflag:s0] =	ssyncadd.s32 @!p0 s1  }
0x303: {  	[bflag:$0x3] =	sbarrier.arrive $0xFFFF  }
0x304: {  	_ =	shalt  }

</sc_bundles>
